<compile_context>
chip_gen: v7x
topology: tpu7x:2x2x1
jax: 0.10.2.dev20260603
libtpu: 0.0.44.dev20260713+nightly
codegen_flags: <defaults>
</compile_context>

<pallas_src>
import functools

import jax
import jax.numpy as jnp
from jax import lax
from jax.experimental import pallas as pl
from jax.experimental.pallas import tpu as pltpu, tpu_sc as plsc

VOCAB = 1000000
EMB = 64
MD = 50
B = 4096
L = 200
BL = B * L
OUT_D = EMB + MD

NC = 2
NS = 16
NW = NC * NS

LA = 96
LB = L - LA
SG = 8
MDP = 56
SG_PER_S = L // SG
SENT_PER_W = B // NW
TGT_PER_W = B // NW

_mesh = plsc.VectorSubcoreMesh(
    core_axis_name="c", subcore_axis_name="s", num_cores=NC, num_subcores=NS
)


@functools.partial(
    pl.kernel,
    out_type=(
        jax.ShapeDtypeStruct((BL, 128), jnp.float32),
        jax.ShapeDtypeStruct((B, EMB), jnp.float32),
    ),
    mesh=_mesh,
    compiler_params=pltpu.CompilerParams(use_tc_tiling_on_sc=False),
    scratch_types=[
        pltpu.VMEM((SENT_PER_W, L), jnp.int32),
        pltpu.VMEM((SENT_PER_W, SG_PER_S), jnp.int32),
        pltpu.VMEM((LA, EMB), jnp.float32),
        pltpu.VMEM((LB, EMB), jnp.float32),
        pltpu.VMEM((LA, EMB), jnp.float32),
        pltpu.VMEM((LB, EMB), jnp.float32),
        pltpu.VMEM((LA, EMB), jnp.float32),
        pltpu.VMEM((LB, EMB), jnp.float32),
        pltpu.VMEM((SG_PER_S, SG, MDP), jnp.float32),
        pltpu.VMEM((SG_PER_S, SG, MDP), jnp.float32),
        pltpu.VMEM((SG_PER_S, SG, MDP), jnp.float32),
        pltpu.VMEM((TGT_PER_W,), jnp.int32),
        pltpu.VMEM((TGT_PER_W, EMB), jnp.float32),
        pltpu.SemaphoreType.DMA,
        pltpu.SemaphoreType.DMA,
        pltpu.SemaphoreType.DMA,
        pltpu.SemaphoreType.DMA,
        pltpu.SemaphoreType.DMA,
        pltpu.SemaphoreType.DMA,
    ],
)
def _simple_cat_sc(
    sent_ref, codes_ref, target_ref, wt_ref, pat_ref,
    out_ref, tgt_ref,
    idx_all, codes_all, wa0, wb0, wa1, wb1, wa2, wb2, mv0, mv1, mv2,
    tidx_v, trow_v, gsem0, gsem1, gsem2, wsem0, wsem1, wsem2,
):
    c = lax.axis_index("c")
    s = lax.axis_index("s")
    wid = s * NC + c
    b0 = wid * SENT_PER_W

    wa_b = (wa0, wa1, wa2)
    wb_b = (wb0, wb1, wb2)
    mv_b = (mv0, mv1, mv2)
    gsem_b = (gsem0, gsem1, gsem2)
    wsem_b = (wsem0, wsem1, wsem2)

    pltpu.sync_copy(sent_ref.at[pl.ds(b0, SENT_PER_W)], idx_all)
    pltpu.sync_copy(codes_ref.at[pl.ds(b0, SENT_PER_W)], codes_all)

    def fire_gathers(si, k):
        pltpu.async_copy(wt_ref.at[idx_all.at[si, pl.ds(0, LA)]], wa_b[k], gsem_b[k])
        pltpu.async_copy(wt_ref.at[idx_all.at[si, pl.ds(LA, LB)]], wb_b[k], gsem_b[k])
        pltpu.async_copy(pat_ref.at[codes_all.at[si]], mv_b[k], gsem_b[k])

    def drain_gathers(k):
        pltpu.make_async_copy(wt_ref.at[idx_all.at[0, pl.ds(0, LA)]], wa_b[k], gsem_b[k]).wait()
        pltpu.make_async_copy(wt_ref.at[idx_all.at[0, pl.ds(LA, LB)]], wb_b[k], gsem_b[k]).wait()
        pltpu.make_async_copy(pat_ref.at[codes_all.at[0]], mv_b[k], gsem_b[k]).wait()

    def fire_writes(si, k):
        r0 = (b0 + si) * L
        pltpu.async_copy(wa_b[k], out_ref.at[pl.ds(r0, LA), pl.ds(0, EMB)], wsem_b[k])
        pltpu.async_copy(wb_b[k], out_ref.at[pl.ds(r0 + LA, LB), pl.ds(0, EMB)], wsem_b[k])

        def mask_write(g, carry):
            pltpu.async_copy(
                mv_b[k].at[g],
                out_ref.at[pl.ds(r0 + g * SG, SG), pl.ds(EMB, MDP)],
                wsem_b[k],
            )
            return carry

        lax.fori_loop(0, SG_PER_S, mask_write, 0)

    def drain_writes(k):
        pltpu.make_async_copy(wa_b[k], out_ref.at[pl.ds(b0 * L, LA), pl.ds(0, EMB)], wsem_b[k]).wait()
        pltpu.make_async_copy(wb_b[k], out_ref.at[pl.ds(b0 * L, LB), pl.ds(0, EMB)], wsem_b[k]).wait()
        pltpu.make_async_copy(pat_ref.at[pl.ds(0, SG_PER_S)], mv_b[k], wsem_b[k]).wait()

    fire_gathers(0, 0)
    fire_gathers(1, 1)
    fire_gathers(2, 2)

    def tri_body(io, carry):
        s0 = 3 * io
        for j in range(3):
            si = s0 + j

            @pl.when(si < SENT_PER_W)
            def _(si=si, j=j):
                drain_gathers(j)
                fire_writes(si, j)

        for j in range(3):
            si = s0 + j

            @pl.when(si < SENT_PER_W)
            def _(si=si, j=j):
                drain_writes(j)

                @pl.when(si + 3 < SENT_PER_W)
                def _():
                    fire_gathers(si + 3, j)

        return carry

    lax.fori_loop(0, (SENT_PER_W + 2) // 3, tri_body, 0)

    pltpu.sync_copy(target_ref.at[pl.ds(wid * TGT_PER_W, TGT_PER_W)], tidx_v)
    pltpu.async_copy(wt_ref.at[tidx_v], trow_v, gsem0).wait()
    pltpu.sync_copy(trow_v, tgt_ref.at[pl.ds(wid * TGT_PER_W, TGT_PER_W)])


def kernel(sent, mask, target, word_table, mask_table):
    bits = mask.astype(jnp.int32).reshape(B, SG_PER_S, SG)
    codes = jnp.sum(bits << jnp.arange(SG, dtype=jnp.int32)[None, None, :], axis=2)
    pat_bits = (jnp.arange(256, dtype=jnp.int32)[:, None] >> jnp.arange(SG, dtype=jnp.int32)[None, :]) & 1
    patterns = jnp.take(mask_table, pat_bits, axis=0)
    patterns = jnp.pad(patterns, ((0, 0), (0, 0), (0, MDP - MD)))
    out128, tgt_out = _simple_cat_sc(sent, codes, target, word_table, patterns)
    return out128[:, :OUT_D].reshape(B, L, OUT_D), tgt_out

# --- scband reference (transcript-rebuilt; emitter-appended) ---
"""Pipeline reference for scband-simple-cat-26456998543647 (READ-ONLY COPY).

The authoritative reference and input builder live on the scoring server;
editing this copy changes nothing except your own understanding.
"""

import jax, jax.numpy as jnp
import numpy as np

VOCAB = 1000000
EMB_DIM = 64
MASK_DIM = 50
B = 4096
L = 200


def setup_inputs(seed: int = 0) -> dict:
    key = jax.random.key(seed)
    k1, k2, k3, k4, k5 = jax.random.split(key, 5)
    sent = jax.random.randint(k1, (B, L), 0, VOCAB, dtype=jnp.int64) if jax.config.jax_enable_x64 else jax.random.randint(k1, (B, L), 0, VOCAB).astype(jnp.int32)
    mask = jax.random.randint(k2, (B, L), 0, 2).astype(sent.dtype)
    target = jax.random.randint(k3, (B,), 0, VOCAB).astype(sent.dtype)
    word_table = jax.random.normal(k4, (VOCAB, EMB_DIM), dtype=jnp.float32) * 0.02
    mask_table = jax.random.normal(k5, (2, MASK_DIM), dtype=jnp.float32) * 0.02
    return {"sent": sent, "mask": mask, "target": target, "word_table": word_table, "mask_table": mask_table}


def reference(sent, mask, target, word_table, mask_table):
    # SimpleCat.forward with is_elmo=False, is_pos=False, eval mode (dropout = identity)
    sent_vec = jnp.take(word_table, sent, axis=0)          # [B, L, EMB_DIM]
    target_vec = jnp.take(word_table, target, axis=0)      # [B, EMB_DIM]
    mask_vec = jnp.take(mask_table, mask, axis=0)          # [B, L, MASK_DIM]
    sent_vec = jnp.concatenate([sent_vec, mask_vec], axis=2)  # [B, L, EMB_DIM + MASK_DIM]
    return (sent_vec, target_vec)

if __name__ == "__main__":
    import jax
    _d = setup_inputs()
    print(jax.jit(kernel)(*tuple(_d.values())))

</pallas_src>

<mosaic_0001>
#map = affine_map<(d0, d1) -> (0, 0)>
#map1 = affine_map<(d0, d1) -> (0)>
#map2 = affine_map<(d0, d1) -> (0, 0, 0)>
module attributes {stable_mosaic.version = 14 : i64} {
  func.func @_simple_cat_sc(%arg0: i32, %arg1: i32, %arg2: memref<4096x200xi32, #tpu.memory_space<hbm>>, %arg3: memref<4096x25xi32, #tpu.memory_space<hbm>>, %arg4: memref<4096xi32, #tpu.memory_space<hbm>>, %arg5: memref<1000000x64xf32, #tpu.memory_space<hbm>>, %arg6: memref<256x8x56xf32, #tpu.memory_space<hbm>>, %arg7: memref<819200x128xf32, #tpu.memory_space<hbm>>, %arg8: memref<4096x64xf32, #tpu.memory_space<hbm>>, %arg9: memref<128x200xi32, #tpu.memory_space<vmem>>, %arg10: memref<128x25xi32, #tpu.memory_space<vmem>>, %arg11: memref<96x64xf32, #tpu.memory_space<vmem>>, %arg12: memref<104x64xf32, #tpu.memory_space<vmem>>, %arg13: memref<96x64xf32, #tpu.memory_space<vmem>>, %arg14: memref<104x64xf32, #tpu.memory_space<vmem>>, %arg15: memref<96x64xf32, #tpu.memory_space<vmem>>, %arg16: memref<104x64xf32, #tpu.memory_space<vmem>>, %arg17: memref<25x8x56xf32, #tpu.memory_space<vmem>>, %arg18: memref<25x8x56xf32, #tpu.memory_space<vmem>>, %arg19: memref<25x8x56xf32, #tpu.memory_space<vmem>>, %arg20: memref<128xi32, #tpu.memory_space<vmem>>, %arg21: memref<128x64xf32, #tpu.memory_space<vmem>>, %arg22: memref<!tpu.dma_semaphore, #tpu.memory_space<semaphore_mem>>, %arg23: memref<!tpu.dma_semaphore, #tpu.memory_space<semaphore_mem>>, %arg24: memref<!tpu.dma_semaphore, #tpu.memory_space<semaphore_mem>>, %arg25: memref<!tpu.dma_semaphore, #tpu.memory_space<semaphore_mem>>, %arg26: memref<!tpu.dma_semaphore, #tpu.memory_space<semaphore_mem>>, %arg27: memref<!tpu.dma_semaphore, #tpu.memory_space<semaphore_mem>>) attributes {dimension_semantics = [#tpu.dimension_semantics<core_parallel>, #tpu.dimension_semantics<subcore_parallel>], iteration_bounds = array<i64: 2, 16>, scalar_prefetch = 0 : i64, scratch_operands = 19 : i64, tpu.core_type = #tpu.core_type<sc_vector_subcore>, window_params = [{transform_indices = #map}, {transform_indices = #map}, {transform_indices = #map1}, {transform_indices = #map}, {transform_indices = #map2}, {transform_indices = #map}, {transform_indices = #map}]} {
    %mul3A = arith.constant 2 : i32
    %mul3A_0 = arith.muli %arg1, %mul3A : i32
    %add3A = arith.addi %mul3A_0, %arg0 : i32
    %mul3A_1 = arith.constant 128 : i32
    %mul3A_2 = arith.muli %add3A, %mul3A_1 : i32
    "tpu.region"() ({
      %run_scoped3A = tpu.sem_alloc : memref<!tpu.dma_semaphore, #tpu.memory_space<semaphore_mem>>
      %dma_start3A_82 = arith.constant 0 : i32
      %dma_start3A_83 = tpu.memref_slice %arg2[%mul3A_2, %dma_start3A_82] : memref<4096x200xi32, #tpu.memory_space<hbm>> -> memref<128x200xi32, #tpu.memory_space<hbm>>
      %dma_start3A_84 = arith.constant 0 : i32
      %dma_start3A_85 = tpu.memref_slice %arg2[%mul3A_2, %dma_start3A_84] : memref<4096x200xi32, #tpu.memory_space<hbm>> -> memref<128x200xi32, #tpu.memory_space<hbm>>
      tpu.enqueue_dma source(%dma_start3A_85 : memref<128x200xi32, #tpu.memory_space<hbm>>) target(%arg9 : memref<128x200xi32, #tpu.memory_space<vmem>>) target_semaphore(%run_scoped3A : memref<!tpu.dma_semaphore, #tpu.memory_space<semaphore_mem>>)
      %dma_wait3A_86 = arith.constant 0 : i32
      %dma_wait3A_87 = tpu.memref_slice %arg2[%mul3A_2, %dma_wait3A_86] : memref<4096x200xi32, #tpu.memory_space<hbm>> -> memref<128x200xi32, #tpu.memory_space<hbm>>
      %dma_wait3A_88 = arith.constant 0 : i32
      %dma_wait3A_89 = tpu.memref_slice %arg2[%mul3A_2, %dma_wait3A_88] : memref<4096x200xi32, #tpu.memory_space<hbm>> -> memref<128x200xi32, #tpu.memory_space<hbm>>
      tpu.wait_dma2 semaphore(%run_scoped3A : memref<!tpu.dma_semaphore, #tpu.memory_space<semaphore_mem>>) src(%dma_wait3A_89 : memref<128x200xi32, #tpu.memory_space<hbm>>) dst(%arg9 : memref<128x200xi32, #tpu.memory_space<vmem>>)
      tpu.yield
    }) : () -> ()
    "tpu.region"() ({
      %run_scoped3A = tpu.sem_alloc : memref<!tpu.dma_semaphore, #tpu.memory_space<semaphore_mem>>
      %dma_start3A_82 = arith.constant 0 : i32
      %dma_start3A_83 = tpu.memref_slice %arg3[%mul3A_2, %dma_start3A_82] : memref<4096x25xi32, #tpu.memory_space<hbm>> -> memref<128x25xi32, #tpu.memory_space<hbm>>
      %dma_start3A_84 = arith.constant 0 : i32
      %dma_start3A_85 = tpu.memref_slice %arg3[%mul3A_2, %dma_start3A_84] : memref<4096x25xi32, #tpu.memory_space<hbm>> -> memref<128x25xi32, #tpu.memory_space<hbm>>
      tpu.enqueue_dma source(%dma_start3A_85 : memref<128x25xi32, #tpu.memory_space<hbm>>) target(%arg10 : memref<128x25xi32, #tpu.memory_space<vmem>>) target_semaphore(%run_scoped3A : memref<!tpu.dma_semaphore, #tpu.memory_space<semaphore_mem>>)
      %dma_wait3A_86 = arith.constant 0 : i32
      %dma_wait3A_87 = tpu.memref_slice %arg3[%mul3A_2, %dma_wait3A_86] : memref<4096x25xi32, #tpu.memory_space<hbm>> -> memref<128x25xi32, #tpu.memory_space<hbm>>
      %dma_wait3A_88 = arith.constant 0 : i32
      %dma_wait3A_89 = tpu.memref_slice %arg3[%mul3A_2, %dma_wait3A_88] : memref<4096x25xi32, #tpu.memory_space<hbm>> -> memref<128x25xi32, #tpu.memory_space<hbm>>
      tpu.wait_dma2 semaphore(%run_scoped3A : memref<!tpu.dma_semaphore, #tpu.memory_space<semaphore_mem>>) src(%dma_wait3A_89 : memref<128x25xi32, #tpu.memory_space<hbm>>) dst(%arg10 : memref<128x25xi32, #tpu.memory_space<vmem>>)
      tpu.yield
    }) : () -> ()
    %dma_start3A = arith.constant 0 : i32
    %dma_start3A_3 = arith.constant 0 : i32
    %dma_start3A_4 = tpu.memref_slice %arg9[%dma_start3A, %dma_start3A_3] : memref<128x200xi32, #tpu.memory_space<vmem>> -> memref<1x96xi32, #tpu.memory_space<vmem>>
    %dma_start3A_5 = tpu.memref_squeeze %dma_start3A_4 : memref<1x96xi32, #tpu.memory_space<vmem>> -> memref<96xi32, #tpu.memory_space<vmem>>
    %dma_start3A_6 = arith.constant 0 : i32
    %dma_start3A_7 = arith.constant 0 : i32
    %dma_start3A_8 = tpu.memref_slice %arg5[%dma_start3A_6, %dma_start3A_7] : memref<1000000x64xf32, #tpu.memory_space<hbm>> -> memref<1000000x64xf32, #tpu.memory_space<hbm>>
    tpu.enqueue_indirect_dma source(%dma_start3A_8 : memref<1000000x64xf32, #tpu.memory_space<hbm>>) target(%arg11 : memref<96x64xf32, #tpu.memory_space<vmem>>) offsets(%dma_start3A_5 : memref<96xi32, #tpu.memory_space<vmem>>) semaphore(%arg22 : memref<!tpu.dma_semaphore, #tpu.memory_space<semaphore_mem>>)
    %dma_start3A_9 = arith.constant 0 : i32
    %dma_start3A_10 = arith.constant 96 : i32
    %dma_start3A_11 = tpu.memref_slice %arg9[%dma_start3A_9, %dma_start3A_10] : memref<128x200xi32, #tpu.memory_space<vmem>> -> memref<1x104xi32, #tpu.memory_space<vmem>>
    %dma_start3A_12 = tpu.memref_squeeze %dma_start3A_11 : memref<1x104xi32, #tpu.memory_space<vmem>> -> memref<104xi32, #tpu.memory_space<vmem>>
    %dma_start3A_13 = arith.constant 0 : i32
    %dma_start3A_14 = arith.constant 0 : i32
    %dma_start3A_15 = tpu.memref_slice %arg5[%dma_start3A_13, %dma_start3A_14] : memref<1000000x64xf32, #tpu.memory_space<hbm>> -> memref<1000000x64xf32, #tpu.memory_space<hbm>>
    tpu.enqueue_indirect_dma source(%dma_start3A_15 : memref<1000000x64xf32, #tpu.memory_space<hbm>>) target(%arg12 : memref<104x64xf32, #tpu.memory_space<vmem>>) offsets(%dma_start3A_12 : memref<104xi32, #tpu.memory_space<vmem>>) semaphore(%arg22 : memref<!tpu.dma_semaphore, #tpu.memory_space<semaphore_mem>>)
    %dma_start3A_16 = arith.constant 0 : i32
    %dma_start3A_17 = arith.constant 0 : i32
    %dma_start3A_18 = tpu.memref_slice %arg10[%dma_start3A_16, %dma_start3A_17] : memref<128x25xi32, #tpu.memory_space<vmem>> -> memref<1x25xi32, #tpu.memory_space<vmem>>
    %dma_start3A_19 = tpu.memref_squeeze %dma_start3A_18 : memref<1x25xi32, #tpu.memory_space<vmem>> -> memref<25xi32, #tpu.memory_space<vmem>>
    %dma_start3A_20 = arith.constant 0 : i32
    %dma_start3A_21 = arith.constant 0 : i32
    %dma_start3A_22 = arith.constant 0 : i32
    %dma_start3A_23 = tpu.memref_slice %arg6[%dma_start3A_20, %dma_start3A_21, %dma_start3A_22] : memref<256x8x56xf32, #tpu.memory_space<hbm>> -> memref<256x8x56xf32, #tpu.memory_space<hbm>>
    tpu.enqueue_indirect_dma source(%dma_start3A_23 : memref<256x8x56xf32, #tpu.memory_space<hbm>>) target(%arg17 : memref<25x8x56xf32, #tpu.memory_space<vmem>>) offsets(%dma_start3A_19 : memref<25xi32, #tpu.memory_space<vmem>>) semaphore(%arg22 : memref<!tpu.dma_semaphore, #tpu.memory_space<semaphore_mem>>)
    %dma_start3A_24 = arith.constant 1 : i32
    %dma_start3A_25 = arith.constant 0 : i32
    %dma_start3A_26 = tpu.memref_slice %arg9[%dma_start3A_24, %dma_start3A_25] : memref<128x200xi32, #tpu.memory_space<vmem>> -> memref<1x96xi32, #tpu.memory_space<vmem>>
    %dma_start3A_27 = tpu.memref_squeeze %dma_start3A_26 : memref<1x96xi32, #tpu.memory_space<vmem>> -> memref<96xi32, #tpu.memory_space<vmem>>
    %dma_start3A_28 = arith.constant 0 : i32
    %dma_start3A_29 = arith.constant 0 : i32
    %dma_start3A_30 = tpu.memref_slice %arg5[%dma_start3A_28, %dma_start3A_29] : memref<1000000x64xf32, #tpu.memory_space<hbm>> -> memref<1000000x64xf32, #tpu.memory_space<hbm>>
    tpu.enqueue_indirect_dma source(%dma_start3A_30 : memref<1000000x64xf32, #tpu.memory_space<hbm>>) target(%arg13 : memref<96x64xf32, #tpu.memory_space<vmem>>) offsets(%dma_start3A_27 : memref<96xi32, #tpu.memory_space<vmem>>) semaphore(%arg23 : memref<!tpu.dma_semaphore, #tpu.memory_space<semaphore_mem>>)
    %dma_start3A_31 = arith.constant 1 : i32
    %dma_start3A_32 = arith.constant 96 : i32
    %dma_start3A_33 = tpu.memref_slice %arg9[%dma_start3A_31, %dma_start3A_32] : memref<128x200xi32, #tpu.memory_space<vmem>> -> memref<1x104xi32, #tpu.memory_space<vmem>>
    %dma_start3A_34 = tpu.memref_squeeze %dma_start3A_33 : memref<1x104xi32, #tpu.memory_space<vmem>> -> memref<104xi32, #tpu.memory_space<vmem>>
    %dma_start3A_35 = arith.constant 0 : i32
    %dma_start3A_36 = arith.constant 0 : i32
    %dma_start3A_37 = tpu.memref_slice %arg5[%dma_start3A_35, %dma_start3A_36] : memref<1000000x64xf32, #tpu.memory_space<hbm>> -> memref<1000000x64xf32, #tpu.memory_space<hbm>>
    tpu.enqueue_indirect_dma source(%dma_start3A_37 : memref<1000000x64xf32, #tpu.memory_space<hbm>>) target(%arg14 : memref<104x64xf32, #tpu.memory_space<vmem>>) offsets(%dma_start3A_34 : memref<104xi32, #tpu.memory_space<vmem>>) semaphore(%arg23 : memref<!tpu.dma_semaphore, #tpu.memory_space<semaphore_mem>>)
    %dma_start3A_38 = arith.constant 1 : i32
    %dma_start3A_39 = arith.constant 0 : i32
    %dma_start3A_40 = tpu.memref_slice %arg10[%dma_start3A_38, %dma_start3A_39] : memref<128x25xi32, #tpu.memory_space<vmem>> -> memref<1x25xi32, #tpu.memory_space<vmem>>
    %dma_start3A_41 = tpu.memref_squeeze %dma_start3A_40 : memref<1x25xi32, #tpu.memory_space<vmem>> -> memref<25xi32, #tpu.memory_space<vmem>>
    %dma_start3A_42 = arith.constant 0 : i32
    %dma_start3A_43 = arith.constant 0 : i32
    %dma_start3A_44 = arith.constant 0 : i32
    %dma_start3A_45 = tpu.memref_slice %arg6[%dma_start3A_42, %dma_start3A_43, %dma_start3A_44] : memref<256x8x56xf32, #tpu.memory_space<hbm>> -> memref<256x8x56xf32, #tpu.memory_space<hbm>>
    tpu.enqueue_indirect_dma source(%dma_start3A_45 : memref<256x8x56xf32, #tpu.memory_space<hbm>>) target(%arg18 : memref<25x8x56xf32, #tpu.memory_space<vmem>>) offsets(%dma_start3A_41 : memref<25xi32, #tpu.memory_space<vmem>>) semaphore(%arg23 : memref<!tpu.dma_semaphore, #tpu.memory_space<semaphore_mem>>)
    %dma_start3A_46 = arith.constant 2 : i32
    %dma_start3A_47 = arith.constant 0 : i32
    %dma_start3A_48 = tpu.memref_slice %arg9[%dma_start3A_46, %dma_start3A_47] : memref<128x200xi32, #tpu.memory_space<vmem>> -> memref<1x96xi32, #tpu.memory_space<vmem>>
    %dma_start3A_49 = tpu.memref_squeeze %dma_start3A_48 : memref<1x96xi32, #tpu.memory_space<vmem>> -> memref<96xi32, #tpu.memory_space<vmem>>
    %dma_start3A_50 = arith.constant 0 : i32
    %dma_start3A_51 = arith.constant 0 : i32
    %dma_start3A_52 = tpu.memref_slice %arg5[%dma_start3A_50, %dma_start3A_51] : memref<1000000x64xf32, #tpu.memory_space<hbm>> -> memref<1000000x64xf32, #tpu.memory_space<hbm>>
    tpu.enqueue_indirect_dma source(%dma_start3A_52 : memref<1000000x64xf32, #tpu.memory_space<hbm>>) target(%arg15 : memref<96x64xf32, #tpu.memory_space<vmem>>) offsets(%dma_start3A_49 : memref<96xi32, #tpu.memory_space<vmem>>) semaphore(%arg24 : memref<!tpu.dma_semaphore, #tpu.memory_space<semaphore_mem>>)
    %dma_start3A_53 = arith.constant 2 : i32
    %dma_start3A_54 = arith.constant 96 : i32
    %dma_start3A_55 = tpu.memref_slice %arg9[%dma_start3A_53, %dma_start3A_54] : memref<128x200xi32, #tpu.memory_space<vmem>> -> memref<1x104xi32, #tpu.memory_space<vmem>>
    %dma_start3A_56 = tpu.memref_squeeze %dma_start3A_55 : memref<1x104xi32, #tpu.memory_space<vmem>> -> memref<104xi32, #tpu.memory_space<vmem>>
    %dma_start3A_57 = arith.constant 0 : i32
    %dma_start3A_58 = arith.constant 0 : i32
    %dma_start3A_59 = tpu.memref_slice %arg5[%dma_start3A_57, %dma_start3A_58] : memref<1000000x64xf32, #tpu.memory_space<hbm>> -> memref<1000000x64xf32, #tpu.memory_space<hbm>>
    tpu.enqueue_indirect_dma source(%dma_start3A_59 : memref<1000000x64xf32, #tpu.memory_space<hbm>>) target(%arg16 : memref<104x64xf32, #tpu.memory_space<vmem>>) offsets(%dma_start3A_56 : memref<104xi32, #tpu.memory_space<vmem>>) semaphore(%arg24 : memref<!tpu.dma_semaphore, #tpu.memory_space<semaphore_mem>>)
    %dma_start3A_60 = arith.constant 2 : i32
    %dma_start3A_61 = arith.constant 0 : i32
    %dma_start3A_62 = tpu.memref_slice %arg10[%dma_start3A_60, %dma_start3A_61] : memref<128x25xi32, #tpu.memory_space<vmem>> -> memref<1x25xi32, #tpu.memory_space<vmem>>
    %dma_start3A_63 = tpu.memref_squeeze %dma_start3A_62 : memref<1x25xi32, #tpu.memory_space<vmem>> -> memref<25xi32, #tpu.memory_space<vmem>>
    %dma_start3A_64 = arith.constant 0 : i32
    %dma_start3A_65 = arith.constant 0 : i32
    %dma_start3A_66 = arith.constant 0 : i32
    %dma_start3A_67 = tpu.memref_slice %arg6[%dma_start3A_64, %dma_start3A_65, %dma_start3A_66] : memref<256x8x56xf32, #tpu.memory_space<hbm>> -> memref<256x8x56xf32, #tpu.memory_space<hbm>>
    tpu.enqueue_indirect_dma source(%dma_start3A_67 : memref<256x8x56xf32, #tpu.memory_space<hbm>>) target(%arg19 : memref<25x8x56xf32, #tpu.memory_space<vmem>>) offsets(%dma_start3A_63 : memref<25xi32, #tpu.memory_space<vmem>>) semaphore(%arg24 : memref<!tpu.dma_semaphore, #tpu.memory_space<semaphore_mem>>)
    %scan3A = arith.constant 0 : i32
    %scan3A_68 = arith.constant 0 : i32
    %scan3A_69 = arith.constant 43 : i32
    %scan3A_70 = arith.addi %scan3A_68, %scan3A_69 : i32
    %scan3A_71 = arith.constant 1 : i32
    scf.for %scan3A_82 = %scan3A_68 to %scan3A_70 step %scan3A_71  : i32 {
      %mul3A_83 = arith.constant 3 : i32
      %mul3A_84 = arith.muli %mul3A_83, %scan3A_82 : i32
      %add3A_85 = arith.constant 0 : i32
      %add3A_86 = arith.addi %mul3A_84, %add3A_85 : i32
      %lt3A = arith.constant 128 : i32
      %lt3A_87 = arith.cmpi slt, %add3A_86, %lt3A : i32
      %convert_element_type3A = arith.extui %lt3A_87 : i1 to i32
      %cond3A = arith.constant 0 : i32
      %cond3A_88 = arith.cmpi ne, %convert_element_type3A, %cond3A : i32
      scf.if %cond3A_88 {
        %dma_wait3A_124 = arith.constant 0 : i32
        %dma_wait3A_125 = arith.constant 0 : i32
        %dma_wait3A_126 = tpu.memref_slice %arg9[%dma_wait3A_124, %dma_wait3A_125] : memref<128x200xi32, #tpu.memory_space<vmem>> -> memref<1x96xi32, #tpu.memory_space<vmem>>
        %dma_wait3A_127 = tpu.memref_squeeze %dma_wait3A_126 : memref<1x96xi32, #tpu.memory_space<vmem>> -> memref<96xi32, #tpu.memory_space<vmem>>
        %dma_wait3A_128 = arith.constant 0 : i32
        %dma_wait3A_129 = arith.constant 0 : i32
        %dma_wait3A_130 = tpu.memref_slice %arg5[%dma_wait3A_128, %dma_wait3A_129] : memref<1000000x64xf32, #tpu.memory_space<hbm>> -> memref<1000000x64xf32, #tpu.memory_space<hbm>>
        tpu.wait_indirect_dma semaphore(%arg22 : memref<!tpu.dma_semaphore, #tpu.memory_space<semaphore_mem>>) src(%dma_wait3A_130 : memref<1000000x64xf32, #tpu.memory_space<hbm>>) dst(%arg11 : memref<96x64xf32, #tpu.memory_space<vmem>>)
        %dma_wait3A_131 = arith.constant 0 : i32
        %dma_wait3A_132 = arith.constant 96 : i32
        %dma_wait3A_133 = tpu.memref_slice %arg9[%dma_wait3A_131, %dma_wait3A_132] : memref<128x200xi32, #tpu.memory_space<vmem>> -> memref<1x104xi32, #tpu.memory_space<vmem>>
        %dma_wait3A_134 = tpu.memref_squeeze %dma_wait3A_133 : memref<1x104xi32, #tpu.memory_space<vmem>> -> memref<104xi32, #tpu.memory_space<vmem>>
        %dma_wait3A_135 = arith.constant 0 : i32
        %dma_wait3A_136 = arith.constant 0 : i32
        %dma_wait3A_137 = tpu.memref_slice %arg5[%dma_wait3A_135, %dma_wait3A_136] : memref<1000000x64xf32, #tpu.memory_space<hbm>> -> memref<1000000x64xf32, #tpu.memory_space<hbm>>
        tpu.wait_indirect_dma semaphore(%arg22 : memref<!tpu.dma_semaphore, #tpu.memory_space<semaphore_mem>>) src(%dma_wait3A_137 : memref<1000000x64xf32, #tpu.memory_space<hbm>>) dst(%arg12 : memref<104x64xf32, #tpu.memory_space<vmem>>)
        %dma_wait3A_138 = arith.constant 0 : i32
        %dma_wait3A_139 = arith.constant 0 : i32
        %dma_wait3A_140 = tpu.memref_slice %arg10[%dma_wait3A_138, %dma_wait3A_139] : memref<128x25xi32, #tpu.memory_space<vmem>> -> memref<1x25xi32, #tpu.memory_space<vmem>>
        %dma_wait3A_141 = tpu.memref_squeeze %dma_wait3A_140 : memref<1x25xi32, #tpu.memory_space<vmem>> -> memref<25xi32, #tpu.memory_space<vmem>>
        %dma_wait3A_142 = arith.constant 0 : i32
        %dma_wait3A_143 = arith.constant 0 : i32
        %dma_wait3A_144 = arith.constant 0 : i32
        %dma_wait3A_145 = tpu.memref_slice %arg6[%dma_wait3A_142, %dma_wait3A_143, %dma_wait3A_144] : memref<256x8x56xf32, #tpu.memory_space<hbm>> -> memref<256x8x56xf32, #tpu.memory_space<hbm>>
        tpu.wait_indirect_dma semaphore(%arg22 : memref<!tpu.dma_semaphore, #tpu.memory_space<semaphore_mem>>) src(%dma_wait3A_145 : memref<256x8x56xf32, #tpu.memory_space<hbm>>) dst(%arg17 : memref<25x8x56xf32, #tpu.memory_space<vmem>>)
        %add3A_146 = arith.addi %mul3A_2, %add3A_86 : i32
        %mul3A_147 = arith.constant 200 : i32
        %mul3A_148 = arith.muli %add3A_146, %mul3A_147 : i32
        %dma_start3A_149 = arith.constant 0 : i32
        %dma_start3A_150 = tpu.memref_slice %arg7[%mul3A_148, %dma_start3A_149] : memref<819200x128xf32, #tpu.memory_space<hbm>> -> memref<96x64xf32, #tpu.memory_space<hbm>>
        %dma_start3A_151 = arith.constant 0 : i32
        %dma_start3A_152 = tpu.memref_slice %arg7[%mul3A_148, %dma_start3A_151] : memref<819200x128xf32, #tpu.memory_space<hbm>> -> memref<96x64xf32, #tpu.memory_space<hbm>>
        tpu.enqueue_dma source(%arg11 : memref<96x64xf32, #tpu.memory_space<vmem>>) target(%dma_start3A_152 : memref<96x64xf32, #tpu.memory_space<hbm>>) target_semaphore(%arg25 : memref<!tpu.dma_semaphore, #tpu.memory_space<semaphore_mem>>)
        %add3A_153 = arith.constant 96 : i32
        %add3A_154 = arith.addi %mul3A_148, %add3A_153 : i32
        %dma_start3A_155 = arith.constant 0 : i32
        %dma_start3A_156 = tpu.memref_slice %arg7[%add3A_154, %dma_start3A_155] : memref<819200x128xf32, #tpu.memory_space<hbm>> -> memref<104x64xf32, #tpu.memory_space<hbm>>
        %dma_start3A_157 = arith.constant 0 : i32
        %dma_start3A_158 = tpu.memref_slice %arg7[%add3A_154, %dma_start3A_157] : memref<819200x128xf32, #tpu.memory_space<hbm>> -> memref<104x64xf32, #tpu.memory_space<hbm>>
        tpu.enqueue_dma source(%arg12 : memref<104x64xf32, #tpu.memory_space<vmem>>) target(%dma_start3A_158 : memref<104x64xf32, #tpu.memory_space<hbm>>) target_semaphore(%arg25 : memref<!tpu.dma_semaphore, #tpu.memory_space<semaphore_mem>>)
        %scan3A_159 = arith.constant 0 : i32
        %scan3A_160 = arith.constant 0 : i32
        %scan3A_161 = arith.constant 25 : i32
        %scan3A_162 = arith.addi %scan3A_160, %scan3A_161 : i32
        %scan3A_163 = arith.constant 1 : i32
        scf.for %scan3A_165 = %scan3A_160 to %scan3A_162 step %scan3A_163  : i32 {
          %mul3A_166 = arith.constant 8 : i32
          %mul3A_167 = arith.muli %scan3A_165, %mul3A_166 : i32
          %add3A_168 = arith.addi %mul3A_148, %mul3A_167 : i32
          %dma_start3A_169 = arith.constant 0 : i32
          %dma_start3A_170 = arith.constant 0 : i32
          %dma_start3A_171 = tpu.memref_slice %arg17[%scan3A_165, %dma_start3A_169, %dma_start3A_170] : memref<25x8x56xf32, #tpu.memory_space<vmem>> -> memref<1x8x56xf32, #tpu.memory_space<vmem>>
          %dma_start3A_172 = tpu.memref_squeeze %dma_start3A_171 : memref<1x8x56xf32, #tpu.memory_space<vmem>> -> memref<8x56xf32, #tpu.memory_space<vmem>>
          %dma_start3A_173 = arith.constant 64 : i32
          %dma_start3A_174 = tpu.memref_slice %arg7[%add3A_168, %dma_start3A_173] : memref<819200x128xf32, #tpu.memory_space<hbm>> -> memref<8x56xf32, #tpu.memory_space<hbm>>
          %dma_start3A_175 = arith.constant 64 : i32
          %dma_start3A_176 = tpu.memref_slice %arg7[%add3A_168, %dma_start3A_175] : memref<819200x128xf32, #tpu.memory_space<hbm>> -> memref<8x56xf32, #tpu.memory_space<hbm>>
          %dma_start3A_177 = arith.constant 0 : i32
          %dma_start3A_178 = arith.constant 0 : i32
          %dma_start3A_179 = tpu.memref_slice %arg17[%scan3A_165, %dma_start3A_177, %dma_start3A_178] : memref<25x8x56xf32, #tpu.memory_space<vmem>> -> memref<1x8x56xf32, #tpu.memory_space<vmem>>
          %dma_start3A_180 = tpu.memref_squeeze %dma_start3A_179 : memref<1x8x56xf32, #tpu.memory_space<vmem>> -> memref<8x56xf32, #tpu.memory_space<vmem>>
          tpu.enqueue_dma source(%dma_start3A_180 : memref<8x56xf32, #tpu.memory_space<vmem>>) target(%dma_start3A_176 : memref<8x56xf32, #tpu.memory_space<hbm>>) target_semaphore(%arg25 : memref<!tpu.dma_semaphore, #tpu.memory_space<semaphore_mem>>)
        }
        %scan3A_164 = arith.constant 25 : i32
      } else {
      }
      %add3A_89 = arith.constant 1 : i32
      %add3A_90 = arith.addi %mul3A_84, %add3A_89 : i32
      %lt3A_91 = arith.constant 128 : i32
      %lt3A_92 = arith.cmpi slt, %add3A_90, %lt3A_91 : i32
      %convert_element_type3A_93 = arith.extui %lt3A_92 : i1 to i32
      %cond3A_94 = arith.constant 0 : i32
      %cond3A_95 = arith.cmpi ne, %convert_element_type3A_93, %cond3A_94 : i32
      scf.if %cond3A_95 {
        %dma_wait3A_124 = arith.constant 0 : i32
        %dma_wait3A_125 = arith.constant 0 : i32
        %dma_wait3A_126 = tpu.memref_slice %arg9[%dma_wait3A_124, %dma_wait3A_125] : memref<128x200xi32, #tpu.memory_space<vmem>> -> memref<1x96xi32, #tpu.memory_space<vmem>>
        %dma_wait3A_127 = tpu.memref_squeeze %dma_wait3A_126 : memref<1x96xi32, #tpu.memory_space<vmem>> -> memref<96xi32, #tpu.memory_space<vmem>>
        %dma_wait3A_128 = arith.constant 0 : i32
        %dma_wait3A_129 = arith.constant 0 : i32
        %dma_wait3A_130 = tpu.memref_slice %arg5[%dma_wait3A_128, %dma_wait3A_129] : memref<1000000x64xf32, #tpu.memory_space<hbm>> -> memref<1000000x64xf32, #tpu.memory_space<hbm>>
        tpu.wait_indirect_dma semaphore(%arg23 : memref<!tpu.dma_semaphore, #tpu.memory_space<semaphore_mem>>) src(%dma_wait3A_130 : memref<1000000x64xf32, #tpu.memory_space<hbm>>) dst(%arg13 : memref<96x64xf32, #tpu.memory_space<vmem>>)
        %dma_wait3A_131 = arith.constant 0 : i32
        %dma_wait3A_132 = arith.constant 96 : i32
        %dma_wait3A_133 = tpu.memref_slice %arg9[%dma_wait3A_131, %dma_wait3A_132] : memref<128x200xi32, #tpu.memory_space<vmem>> -> memref<1x104xi32, #tpu.memory_space<vmem>>
        %dma_wait3A_134 = tpu.memref_squeeze %dma_wait3A_133 : memref<1x104xi32, #tpu.memory_space<vmem>> -> memref<104xi32, #tpu.memory_space<vmem>>
        %dma_wait3A_135 = arith.constant 0 : i32
        %dma_wait3A_136 = arith.constant 0 : i32
        %dma_wait3A_137 = tpu.memref_slice %arg5[%dma_wait3A_135, %dma_wait3A_136] : memref<1000000x64xf32, #tpu.memory_space<hbm>> -> memref<1000000x64xf32, #tpu.memory_space<hbm>>
        tpu.wait_indirect_dma semaphore(%arg23 : memref<!tpu.dma_semaphore, #tpu.memory_space<semaphore_mem>>) src(%dma_wait3A_137 : memref<1000000x64xf32, #tpu.memory_space<hbm>>) dst(%arg14 : memref<104x64xf32, #tpu.memory_space<vmem>>)
        %dma_wait3A_138 = arith.constant 0 : i32
        %dma_wait3A_139 = arith.constant 0 : i32
        %dma_wait3A_140 = tpu.memref_slice %arg10[%dma_wait3A_138, %dma_wait3A_139] : memref<128x25xi32, #tpu.memory_space<vmem>> -> memref<1x25xi32, #tpu.memory_space<vmem>>
        %dma_wait3A_141 = tpu.memref_squeeze %dma_wait3A_140 : memref<1x25xi32, #tpu.memory_space<vmem>> -> memref<25xi32, #tpu.memory_space<vmem>>
        %dma_wait3A_142 = arith.constant 0 : i32
        %dma_wait3A_143 = arith.constant 0 : i32
        %dma_wait3A_144 = arith.constant 0 : i32
        %dma_wait3A_145 = tpu.memref_slice %arg6[%dma_wait3A_142, %dma_wait3A_143, %dma_wait3A_144] : memref<256x8x56xf32, #tpu.memory_space<hbm>> -> memref<256x8x56xf32, #tpu.memory_space<hbm>>
        tpu.wait_indirect_dma semaphore(%arg23 : memref<!tpu.dma_semaphore, #tpu.memory_space<semaphore_mem>>) src(%dma_wait3A_145 : memref<256x8x56xf32, #tpu.memory_space<hbm>>) dst(%arg18 : memref<25x8x56xf32, #tpu.memory_space<vmem>>)
        %add3A_146 = arith.addi %mul3A_2, %add3A_90 : i32
        %mul3A_147 = arith.constant 200 : i32
        %mul3A_148 = arith.muli %add3A_146, %mul3A_147 : i32
        %dma_start3A_149 = arith.constant 0 : i32
        %dma_start3A_150 = tpu.memref_slice %arg7[%mul3A_148, %dma_start3A_149] : memref<819200x128xf32, #tpu.memory_space<hbm>> -> memref<96x64xf32, #tpu.memory_space<hbm>>
        %dma_start3A_151 = arith.constant 0 : i32
        %dma_start3A_152 = tpu.memref_slice %arg7[%mul3A_148, %dma_start3A_151] : memref<819200x128xf32, #tpu.memory_space<hbm>> -> memref<96x64xf32, #tpu.memory_space<hbm>>
        tpu.enqueue_dma source(%arg13 : memref<96x64xf32, #tpu.memory_space<vmem>>) target(%dma_start3A_152 : memref<96x64xf32, #tpu.memory_space<hbm>>) target_semaphore(%arg26 : memref<!tpu.dma_semaphore, #tpu.memory_space<semaphore_mem>>)
        %add3A_153 = arith.constant 96 : i32
        %add3A_154 = arith.addi %mul3A_148, %add3A_153 : i32
        %dma_start3A_155 = arith.constant 0 : i32
        %dma_start3A_156 = tpu.memref_slice %arg7[%add3A_154, %dma_start3A_155] : memref<819200x128xf32, #tpu.memory_space<hbm>> -> memref<104x64xf32, #tpu.memory_space<hbm>>
        %dma_start3A_157 = arith.constant 0 : i32
        %dma_start3A_158 = tpu.memref_slice %arg7[%add3A_154, %dma_start3A_157] : memref<819200x128xf32, #tpu.memory_space<hbm>> -> memref<104x64xf32, #tpu.memory_space<hbm>>
        tpu.enqueue_dma source(%arg14 : memref<104x64xf32, #tpu.memory_space<vmem>>) target(%dma_start3A_158 : memref<104x64xf32, #tpu.memory_space<hbm>>) target_semaphore(%arg26 : memref<!tpu.dma_semaphore, #tpu.memory_space<semaphore_mem>>)
        %scan3A_159 = arith.constant 0 : i32
        %scan3A_160 = arith.constant 0 : i32
        %scan3A_161 = arith.constant 25 : i32
        %scan3A_162 = arith.addi %scan3A_160, %scan3A_161 : i32
        %scan3A_163 = arith.constant 1 : i32
        scf.for %scan3A_165 = %scan3A_160 to %scan3A_162 step %scan3A_163  : i32 {
          %mul3A_166 = arith.constant 8 : i32
          %mul3A_167 = arith.muli %scan3A_165, %mul3A_166 : i32
          %add3A_168 = arith.addi %mul3A_148, %mul3A_167 : i32
          %dma_start3A_169 = arith.constant 0 : i32
          %dma_start3A_170 = arith.constant 0 : i32
          %dma_start3A_171 = tpu.memref_slice %arg18[%scan3A_165, %dma_start3A_169, %dma_start3A_170] : memref<25x8x56xf32, #tpu.memory_space<vmem>> -> memref<1x8x56xf32, #tpu.memory_space<vmem>>
          %dma_start3A_172 = tpu.memref_squeeze %dma_start3A_171 : memref<1x8x56xf32, #tpu.memory_space<vmem>> -> memref<8x56xf32, #tpu.memory_space<vmem>>
          %dma_start3A_173 = arith.constant 64 : i32
          %dma_start3A_174 = tpu.memref_slice %arg7[%add3A_168, %dma_start3A_173] : memref<819200x128xf32, #tpu.memory_space<hbm>> -> memref<8x56xf32, #tpu.memory_space<hbm>>
          %dma_start3A_175 = arith.constant 64 : i32
          %dma_start3A_176 = tpu.memref_slice %arg7[%add3A_168, %dma_start3A_175] : memref<819200x128xf32, #tpu.memory_space<hbm>> -> memref<8x56xf32, #tpu.memory_space<hbm>>
          %dma_start3A_177 = arith.constant 0 : i32
          %dma_start3A_178 = arith.constant 0 : i32
          %dma_start3A_179 = tpu.memref_slice %arg18[%scan3A_165, %dma_start3A_177, %dma_start3A_178] : memref<25x8x56xf32, #tpu.memory_space<vmem>> -> memref<1x8x56xf32, #tpu.memory_space<vmem>>
          %dma_start3A_180 = tpu.memref_squeeze %dma_start3A_179 : memref<1x8x56xf32, #tpu.memory_space<vmem>> -> memref<8x56xf32, #tpu.memory_space<vmem>>
          tpu.enqueue_dma source(%dma_start3A_180 : memref<8x56xf32, #tpu.memory_space<vmem>>) target(%dma_start3A_176 : memref<8x56xf32, #tpu.memory_space<hbm>>) target_semaphore(%arg26 : memref<!tpu.dma_semaphore, #tpu.memory_space<semaphore_mem>>)
        }
        %scan3A_164 = arith.constant 25 : i32
      } else {
      }
      %add3A_96 = arith.constant 2 : i32
      %add3A_97 = arith.addi %mul3A_84, %add3A_96 : i32
      %lt3A_98 = arith.constant 128 : i32
      %lt3A_99 = arith.cmpi slt, %add3A_97, %lt3A_98 : i32
      %convert_element_type3A_100 = arith.extui %lt3A_99 : i1 to i32
      %cond3A_101 = arith.constant 0 : i32
      %cond3A_102 = arith.cmpi ne, %convert_element_type3A_100, %cond3A_101 : i32
      scf.if %cond3A_102 {
        %dma_wait3A_124 = arith.constant 0 : i32
        %dma_wait3A_125 = arith.constant 0 : i32
        %dma_wait3A_126 = tpu.memref_slice %arg9[%dma_wait3A_124, %dma_wait3A_125] : memref<128x200xi32, #tpu.memory_space<vmem>> -> memref<1x96xi32, #tpu.memory_space<vmem>>
        %dma_wait3A_127 = tpu.memref_squeeze %dma_wait3A_126 : memref<1x96xi32, #tpu.memory_space<vmem>> -> memref<96xi32, #tpu.memory_space<vmem>>
        %dma_wait3A_128 = arith.constant 0 : i32
        %dma_wait3A_129 = arith.constant 0 : i32
        %dma_wait3A_130 = tpu.memref_slice %arg5[%dma_wait3A_128, %dma_wait3A_129] : memref<1000000x64xf32, #tpu.memory_space<hbm>> -> memref<1000000x64xf32, #tpu.memory_space<hbm>>
        tpu.wait_indirect_dma semaphore(%arg24 : memref<!tpu.dma_semaphore, #tpu.memory_space<semaphore_mem>>) src(%dma_wait3A_130 : memref<1000000x64xf32, #tpu.memory_space<hbm>>) dst(%arg15 : memref<96x64xf32, #tpu.memory_space<vmem>>)
        %dma_wait3A_131 = arith.constant 0 : i32
        %dma_wait3A_132 = arith.constant 96 : i32
        %dma_wait3A_133 = tpu.memref_slice %arg9[%dma_wait3A_131, %dma_wait3A_132] : memref<128x200xi32, #tpu.memory_space<vmem>> -> memref<1x104xi32, #tpu.memory_space<vmem>>
        %dma_wait3A_134 = tpu.memref_squeeze %dma_wait3A_133 : memref<1x104xi32, #tpu.memory_space<vmem>> -> memref<104xi32, #tpu.memory_space<vmem>>
        %dma_wait3A_135 = arith.constant 0 : i32
        %dma_wait3A_136 = arith.constant 0 : i32
        %dma_wait3A_137 = tpu.memref_slice %arg5[%dma_wait3A_135, %dma_wait3A_136] : memref<1000000x64xf32, #tpu.memory_space<hbm>> -> memref<1000000x64xf32, #tpu.memory_space<hbm>>
        tpu.wait_indirect_dma semaphore(%arg24 : memref<!tpu.dma_semaphore, #tpu.memory_space<semaphore_mem>>) src(%dma_wait3A_137 : memref<1000000x64xf32, #tpu.memory_space<hbm>>) dst(%arg16 : memref<104x64xf32, #tpu.memory_space<vmem>>)
        %dma_wait3A_138 = arith.constant 0 : i32
        %dma_wait3A_139 = arith.constant 0 : i32
        %dma_wait3A_140 = tpu.memref_slice %arg10[%dma_wait3A_138, %dma_wait3A_139] : memref<128x25xi32, #tpu.memory_space<vmem>> -> memref<1x25xi32, #tpu.memory_space<vmem>>
        %dma_wait3A_141 = tpu.memref_squeeze %dma_wait3A_140 : memref<1x25xi32, #tpu.memory_space<vmem>> -> memref<25xi32, #tpu.memory_space<vmem>>
        %dma_wait3A_142 = arith.constant 0 : i32
        %dma_wait3A_143 = arith.constant 0 : i32
        %dma_wait3A_144 = arith.constant 0 : i32
        %dma_wait3A_145 = tpu.memref_slice %arg6[%dma_wait3A_142, %dma_wait3A_143, %dma_wait3A_144] : memref<256x8x56xf32, #tpu.memory_space<hbm>> -> memref<256x8x56xf32, #tpu.memory_space<hbm>>
        tpu.wait_indirect_dma semaphore(%arg24 : memref<!tpu.dma_semaphore, #tpu.memory_space<semaphore_mem>>) src(%dma_wait3A_145 : memref<256x8x56xf32, #tpu.memory_space<hbm>>) dst(%arg19 : memref<25x8x56xf32, #tpu.memory_space<vmem>>)
        %add3A_146 = arith.addi %mul3A_2, %add3A_97 : i32
        %mul3A_147 = arith.constant 200 : i32
        %mul3A_148 = arith.muli %add3A_146, %mul3A_147 : i32
        %dma_start3A_149 = arith.constant 0 : i32
        %dma_start3A_150 = tpu.memref_slice %arg7[%mul3A_148, %dma_start3A_149] : memref<819200x128xf32, #tpu.memory_space<hbm>> -> memref<96x64xf32, #tpu.memory_space<hbm>>
        %dma_start3A_151 = arith.constant 0 : i32
        %dma_start3A_152 = tpu.memref_slice %arg7[%mul3A_148, %dma_start3A_151] : memref<819200x128xf32, #tpu.memory_space<hbm>> -> memref<96x64xf32, #tpu.memory_space<hbm>>
        tpu.enqueue_dma source(%arg15 : memref<96x64xf32, #tpu.memory_space<vmem>>) target(%dma_start3A_152 : memref<96x64xf32, #tpu.memory_space<hbm>>) target_semaphore(%arg27 : memref<!tpu.dma_semaphore, #tpu.memory_space<semaphore_mem>>)
        %add3A_153 = arith.constant 96 : i32
        %add3A_154 = arith.addi %mul3A_148, %add3A_153 : i32
        %dma_start3A_155 = arith.constant 0 : i32
        %dma_start3A_156 = tpu.memref_slice %arg7[%add3A_154, %dma_start3A_155] : memref<819200x128xf32, #tpu.memory_space<hbm>> -> memref<104x64xf32, #tpu.memory_space<hbm>>
        %dma_start3A_157 = arith.constant 0 : i32
        %dma_start3A_158 = tpu.memref_slice %arg7[%add3A_154, %dma_start3A_157] : memref<819200x128xf32, #tpu.memory_space<hbm>> -> memref<104x64xf32, #tpu.memory_space<hbm>>
        tpu.enqueue_dma source(%arg16 : memref<104x64xf32, #tpu.memory_space<vmem>>) target(%dma_start3A_158 : memref<104x64xf32, #tpu.memory_space<hbm>>) target_semaphore(%arg27 : memref<!tpu.dma_semaphore, #tpu.memory_space<semaphore_mem>>)
        %scan3A_159 = arith.constant 0 : i32
        %scan3A_160 = arith.constant 0 : i32
        %scan3A_161 = arith.constant 25 : i32
        %scan3A_162 = arith.addi %scan3A_160, %scan3A_161 : i32
        %scan3A_163 = arith.constant 1 : i32
        scf.for %scan3A_165 = %scan3A_160 to %scan3A_162 step %scan3A_163  : i32 {
          %mul3A_166 = arith.constant 8 : i32
          %mul3A_167 = arith.muli %scan3A_165, %mul3A_166 : i32
          %add3A_168 = arith.addi %mul3A_148, %mul3A_167 : i32
          %dma_start3A_169 = arith.constant 0 : i32
          %dma_start3A_170 = arith.constant 0 : i32
          %dma_start3A_171 = tpu.memref_slice %arg19[%scan3A_165, %dma_start3A_169, %dma_start3A_170] : memref<25x8x56xf32, #tpu.memory_space<vmem>> -> memref<1x8x56xf32, #tpu.memory_space<vmem>>
          %dma_start3A_172 = tpu.memref_squeeze %dma_start3A_171 : memref<1x8x56xf32, #tpu.memory_space<vmem>> -> memref<8x56xf32, #tpu.memory_space<vmem>>
          %dma_start3A_173 = arith.constant 64 : i32
          %dma_start3A_174 = tpu.memref_slice %arg7[%add3A_168, %dma_start3A_173] : memref<819200x128xf32, #tpu.memory_space<hbm>> -> memref<8x56xf32, #tpu.memory_space<hbm>>
          %dma_start3A_175 = arith.constant 64 : i32
          %dma_start3A_176 = tpu.memref_slice %arg7[%add3A_168, %dma_start3A_175] : memref<819200x128xf32, #tpu.memory_space<hbm>> -> memref<8x56xf32, #tpu.memory_space<hbm>>
          %dma_start3A_177 = arith.constant 0 : i32
          %dma_start3A_178 = arith.constant 0 : i32
          %dma_start3A_179 = tpu.memref_slice %arg19[%scan3A_165, %dma_start3A_177, %dma_start3A_178] : memref<25x8x56xf32, #tpu.memory_space<vmem>> -> memref<1x8x56xf32, #tpu.memory_space<vmem>>
          %dma_start3A_180 = tpu.memref_squeeze %dma_start3A_179 : memref<1x8x56xf32, #tpu.memory_space<vmem>> -> memref<8x56xf32, #tpu.memory_space<vmem>>
          tpu.enqueue_dma source(%dma_start3A_180 : memref<8x56xf32, #tpu.memory_space<vmem>>) target(%dma_start3A_176 : memref<8x56xf32, #tpu.memory_space<hbm>>) target_semaphore(%arg27 : memref<!tpu.dma_semaphore, #tpu.memory_space<semaphore_mem>>)
        }
        %scan3A_164 = arith.constant 25 : i32
      } else {
      }
      %add3A_103 = arith.constant 0 : i32
      %add3A_104 = arith.addi %mul3A_84, %add3A_103 : i32
      %lt3A_105 = arith.constant 128 : i32
      %lt3A_106 = arith.cmpi slt, %add3A_104, %lt3A_105 : i32
      %convert_element_type3A_107 = arith.extui %lt3A_106 : i1 to i32
      %cond3A_108 = arith.constant 0 : i32
      %cond3A_109 = arith.cmpi ne, %convert_element_type3A_107, %cond3A_108 : i32
      scf.if %cond3A_109 {
        %mul3A_124 = arith.constant 200 : i32
        %mul3A_125 = arith.muli %mul3A_2, %mul3A_124 : i32
        %dma_wait3A_126 = arith.constant 0 : i32
        %dma_wait3A_127 = tpu.memref_slice %arg7[%mul3A_125, %dma_wait3A_126] : memref<819200x128xf32, #tpu.memory_space<hbm>> -> memref<96x64xf32, #tpu.memory_space<hbm>>
        %dma_wait3A_128 = arith.constant 0 : i32
        %dma_wait3A_129 = tpu.memref_slice %arg7[%mul3A_125, %dma_wait3A_128] : memref<819200x128xf32, #tpu.memory_space<hbm>> -> memref<96x64xf32, #tpu.memory_space<hbm>>
        tpu.wait_dma2 semaphore(%arg25 : memref<!tpu.dma_semaphore, #tpu.memory_space<semaphore_mem>>) src(%arg11 : memref<96x64xf32, #tpu.memory_space<vmem>>) dst(%dma_wait3A_129 : memref<96x64xf32, #tpu.memory_space<hbm>>)
        %mul3A_130 = arith.constant 200 : i32
        %mul3A_131 = arith.muli %mul3A_2, %mul3A_130 : i32
        %dma_wait3A_132 = arith.constant 0 : i32
        %dma_wait3A_133 = tpu.memref_slice %arg7[%mul3A_131, %dma_wait3A_132] : memref<819200x128xf32, #tpu.memory_space<hbm>> -> memref<104x64xf32, #tpu.memory_space<hbm>>
        %dma_wait3A_134 = arith.constant 0 : i32
        %dma_wait3A_135 = tpu.memref_slice %arg7[%mul3A_131, %dma_wait3A_134] : memref<819200x128xf32, #tpu.memory_space<hbm>> -> memref<104x64xf32, #tpu.memory_space<hbm>>
        tpu.wait_dma2 semaphore(%arg25 : memref<!tpu.dma_semaphore, #tpu.memory_space<semaphore_mem>>) src(%arg12 : memref<104x64xf32, #tpu.memory_space<vmem>>) dst(%dma_wait3A_135 : memref<104x64xf32, #tpu.memory_space<hbm>>)
        %dma_wait3A_136 = arith.constant 0 : i32
        %dma_wait3A_137 = arith.constant 0 : i32
        %dma_wait3A_138 = arith.constant 0 : i32
        %dma_wait3A_139 = tpu.memref_slice %arg6[%dma_wait3A_136, %dma_wait3A_137, %dma_wait3A_138] : memref<256x8x56xf32, #tpu.memory_space<hbm>> -> memref<25x8x56xf32, #tpu.memory_space<hbm>>
        %dma_wait3A_140 = arith.constant 0 : i32
        %dma_wait3A_141 = arith.constant 0 : i32
        %dma_wait3A_142 = arith.constant 0 : i32
        %dma_wait3A_143 = tpu.memref_slice %arg6[%dma_wait3A_140, %dma_wait3A_141, %dma_wait3A_142] : memref<256x8x56xf32, #tpu.memory_space<hbm>> -> memref<25x8x56xf32, #tpu.memory_space<hbm>>
        tpu.wait_dma2 semaphore(%arg25 : memref<!tpu.dma_semaphore, #tpu.memory_space<semaphore_mem>>) src(%dma_wait3A_143 : memref<25x8x56xf32, #tpu.memory_space<hbm>>) dst(%arg17 : memref<25x8x56xf32, #tpu.memory_space<vmem>>)
        %add3A_144 = arith.constant 3 : i32
        %add3A_145 = arith.addi %add3A_104, %add3A_144 : i32
        %lt3A_146 = arith.constant 128 : i32
        %lt3A_147 = arith.cmpi slt, %add3A_145, %lt3A_146 : i32
        %convert_element_type3A_148 = arith.extui %lt3A_147 : i1 to i32
        %cond3A_149 = arith.constant 0 : i32
        %cond3A_150 = arith.cmpi ne, %convert_element_type3A_148, %cond3A_149 : i32
        scf.if %cond3A_150 {
          %add3A_151 = arith.constant 3 : i32
          %add3A_152 = arith.addi %add3A_104, %add3A_151 : i32
          %dma_start3A_153 = arith.constant 0 : i32
          %dma_start3A_154 = tpu.memref_slice %arg9[%add3A_152, %dma_start3A_153] : memref<128x200xi32, #tpu.memory_space<vmem>> -> memref<1x96xi32, #tpu.memory_space<vmem>>
          %dma_start3A_155 = tpu.memref_squeeze %dma_start3A_154 : memref<1x96xi32, #tpu.memory_space<vmem>> -> memref<96xi32, #tpu.memory_space<vmem>>
          %dma_start3A_156 = arith.constant 0 : i32
          %dma_start3A_157 = arith.constant 0 : i32
          %dma_start3A_158 = tpu.memref_slice %arg5[%dma_start3A_156, %dma_start3A_157] : memref<1000000x64xf32, #tpu.memory_space<hbm>> -> memref<1000000x64xf32, #tpu.memory_space<hbm>>
          tpu.enqueue_indirect_dma source(%dma_start3A_158 : memref<1000000x64xf32, #tpu.memory_space<hbm>>) target(%arg11 : memref<96x64xf32, #tpu.memory_space<vmem>>) offsets(%dma_start3A_155 : memref<96xi32, #tpu.memory_space<vmem>>) semaphore(%arg22 : memref<!tpu.dma_semaphore, #tpu.memory_space<semaphore_mem>>)
          %dma_start3A_159 = arith.constant 96 : i32
          %dma_start3A_160 = tpu.memref_slice %arg9[%add3A_152, %dma_start3A_159] : memref<128x200xi32, #tpu.memory_space<vmem>> -> memref<1x104xi32, #tpu.memory_space<vmem>>
          %dma_start3A_161 = tpu.memref_squeeze %dma_start3A_160 : memref<1x104xi32, #tpu.memory_space<vmem>> -> memref<104xi32, #tpu.memory_space<vmem>>
          %dma_start3A_162 = arith.constant 0 : i32
          %dma_start3A_163 = arith.constant 0 : i32
          %dma_start3A_164 = tpu.memref_slice %arg5[%dma_start3A_162, %dma_start3A_163] : memref<1000000x64xf32, #tpu.memory_space<hbm>> -> memref<1000000x64xf32, #tpu.memory_space<hbm>>
          tpu.enqueue_indirect_dma source(%dma_start3A_164 : memref<1000000x64xf32, #tpu.memory_space<hbm>>) target(%arg12 : memref<104x64xf32, #tpu.memory_space<vmem>>) offsets(%dma_start3A_161 : memref<104xi32, #tpu.memory_space<vmem>>) semaphore(%arg22 : memref<!tpu.dma_semaphore, #tpu.memory_space<semaphore_mem>>)
          %dma_start3A_165 = arith.constant 0 : i32
          %dma_start3A_166 = tpu.memref_slice %arg10[%add3A_152, %dma_start3A_165] : memref<128x25xi32, #tpu.memory_space<vmem>> -> memref<1x25xi32, #tpu.memory_space<vmem>>
          %dma_start3A_167 = tpu.memref_squeeze %dma_start3A_166 : memref<1x25xi32, #tpu.memory_space<vmem>> -> memref<25xi32, #tpu.memory_space<vmem>>
          %dma_start3A_168 = arith.constant 0 : i32
          %dma_start3A_169 = arith.constant 0 : i32
          %dma_start3A_170 = arith.constant 0 : i32
          %dma_start3A_171 = tpu.memref_slice %arg6[%dma_start3A_168, %dma_start3A_169, %dma_start3A_170] : memref<256x8x56xf32, #tpu.memory_space<hbm>> -> memref<256x8x56xf32, #tpu.memory_space<hbm>>
          tpu.enqueue_indirect_dma source(%dma_start3A_171 : memref<256x8x56xf32, #tpu.memory_space<hbm>>) target(%arg17 : memref<25x8x56xf32, #tpu.memory_space<vmem>>) offsets(%dma_start3A_167 : memref<25xi32, #tpu.memory_space<vmem>>) semaphore(%arg22 : memref<!tpu.dma_semaphore, #tpu.memory_space<semaphore_mem>>)
        } else {
        }
      } else {
      }
      %add3A_110 = arith.constant 1 : i32
      %add3A_111 = arith.addi %mul3A_84, %add3A_110 : i32
      %lt3A_112 = arith.constant 128 : i32
      %lt3A_113 = arith.cmpi slt, %add3A_111, %lt3A_112 : i32
      %convert_element_type3A_114 = arith.extui %lt3A_113 : i1 to i32
      %cond3A_115 = arith.constant 0 : i32
      %cond3A_116 = arith.cmpi ne, %convert_element_type3A_114, %cond3A_115 : i32
      scf.if %cond3A_116 {
        %mul3A_124 = arith.constant 200 : i32
        %mul3A_125 = arith.muli %mul3A_2, %mul3A_124 : i32
        %dma_wait3A_126 = arith.constant 0 : i32
        %dma_wait3A_127 = tpu.memref_slice %arg7[%mul3A_125, %dma_wait3A_126] : memref<819200x128xf32, #tpu.memory_space<hbm>> -> memref<96x64xf32, #tpu.memory_space<hbm>>
        %dma_wait3A_128 = arith.constant 0 : i32
        %dma_wait3A_129 = tpu.memref_slice %arg7[%mul3A_125, %dma_wait3A_128] : memref<819200x128xf32, #tpu.memory_space<hbm>> -> memref<96x64xf32, #tpu.memory_space<hbm>>
        tpu.wait_dma2 semaphore(%arg26 : memref<!tpu.dma_semaphore, #tpu.memory_space<semaphore_mem>>) src(%arg13 : memref<96x64xf32, #tpu.memory_space<vmem>>) dst(%dma_wait3A_129 : memref<96x64xf32, #tpu.memory_space<hbm>>)
        %mul3A_130 = arith.constant 200 : i32
        %mul3A_131 = arith.muli %mul3A_2, %mul3A_130 : i32
        %dma_wait3A_132 = arith.constant 0 : i32
        %dma_wait3A_133 = tpu.memref_slice %arg7[%mul3A_131, %dma_wait3A_132] : memref<819200x128xf32, #tpu.memory_space<hbm>> -> memref<104x64xf32, #tpu.memory_space<hbm>>
        %dma_wait3A_134 = arith.constant 0 : i32
        %dma_wait3A_135 = tpu.memref_slice %arg7[%mul3A_131, %dma_wait3A_134] : memref<819200x128xf32, #tpu.memory_space<hbm>> -> memref<104x64xf32, #tpu.memory_space<hbm>>
        tpu.wait_dma2 semaphore(%arg26 : memref<!tpu.dma_semaphore, #tpu.memory_space<semaphore_mem>>) src(%arg14 : memref<104x64xf32, #tpu.memory_space<vmem>>) dst(%dma_wait3A_135 : memref<104x64xf32, #tpu.memory_space<hbm>>)
        %dma_wait3A_136 = arith.constant 0 : i32
        %dma_wait3A_137 = arith.constant 0 : i32
        %dma_wait3A_138 = arith.constant 0 : i32
        %dma_wait3A_139 = tpu.memref_slice %arg6[%dma_wait3A_136, %dma_wait3A_137, %dma_wait3A_138] : memref<256x8x56xf32, #tpu.memory_space<hbm>> -> memref<25x8x56xf32, #tpu.memory_space<hbm>>
        %dma_wait3A_140 = arith.constant 0 : i32
        %dma_wait3A_141 = arith.constant 0 : i32
        %dma_wait3A_142 = arith.constant 0 : i32
        %dma_wait3A_143 = tpu.memref_slice %arg6[%dma_wait3A_140, %dma_wait3A_141, %dma_wait3A_142] : memref<256x8x56xf32, #tpu.memory_space<hbm>> -> memref<25x8x56xf32, #tpu.memory_space<hbm>>
        tpu.wait_dma2 semaphore(%arg26 : memref<!tpu.dma_semaphore, #tpu.memory_space<semaphore_mem>>) src(%dma_wait3A_143 : memref<25x8x56xf32, #tpu.memory_space<hbm>>) dst(%arg18 : memref<25x8x56xf32, #tpu.memory_space<vmem>>)
        %add3A_144 = arith.constant 3 : i32
        %add3A_145 = arith.addi %add3A_111, %add3A_144 : i32
        %lt3A_146 = arith.constant 128 : i32
        %lt3A_147 = arith.cmpi slt, %add3A_145, %lt3A_146 : i32
        %convert_element_type3A_148 = arith.extui %lt3A_147 : i1 to i32
        %cond3A_149 = arith.constant 0 : i32
        %cond3A_150 = arith.cmpi ne, %convert_element_type3A_148, %cond3A_149 : i32
        scf.if %cond3A_150 {
          %add3A_151 = arith.constant 3 : i32
          %add3A_152 = arith.addi %add3A_111, %add3A_151 : i32
          %dma_start3A_153 = arith.constant 0 : i32
          %dma_start3A_154 = tpu.memref_slice %arg9[%add3A_152, %dma_start3A_153] : memref<128x200xi32, #tpu.memory_space<vmem>> -> memref<1x96xi32, #tpu.memory_space<vmem>>
          %dma_start3A_155 = tpu.memref_squeeze %dma_start3A_154 : memref<1x96xi32, #tpu.memory_space<vmem>> -> memref<96xi32, #tpu.memory_space<vmem>>
          %dma_start3A_156 = arith.constant 0 : i32
          %dma_start3A_157 = arith.constant 0 : i32
          %dma_start3A_158 = tpu.memref_slice %arg5[%dma_start3A_156, %dma_start3A_157] : memref<1000000x64xf32, #tpu.memory_space<hbm>> -> memref<1000000x64xf32, #tpu.memory_space<hbm>>
          tpu.enqueue_indirect_dma source(%dma_start3A_158 : memref<1000000x64xf32, #tpu.memory_space<hbm>>) target(%arg13 : memref<96x64xf32, #tpu.memory_space<vmem>>) offsets(%dma_start3A_155 : memref<96xi32, #tpu.memory_space<vmem>>) semaphore(%arg23 : memref<!tpu.dma_semaphore, #tpu.memory_space<semaphore_mem>>)
          %dma_start3A_159 = arith.constant 96 : i32
          %dma_start3A_160 = tpu.memref_slice %arg9[%add3A_152, %dma_start3A_159] : memref<128x200xi32, #tpu.memory_space<vmem>> -> memref<1x104xi32, #tpu.memory_space<vmem>>
          %dma_start3A_161 = tpu.memref_squeeze %dma_start3A_160 : memref<1x104xi32, #tpu.memory_space<vmem>> -> memref<104xi32, #tpu.memory_space<vmem>>
          %dma_start3A_162 = arith.constant 0 : i32
          %dma_start3A_163 = arith.constant 0 : i32
          %dma_start3A_164 = tpu.memref_slice %arg5[%dma_start3A_162, %dma_start3A_163] : memref<1000000x64xf32, #tpu.memory_space<hbm>> -> memref<1000000x64xf32, #tpu.memory_space<hbm>>
          tpu.enqueue_indirect_dma source(%dma_start3A_164 : memref<1000000x64xf32, #tpu.memory_space<hbm>>) target(%arg14 : memref<104x64xf32, #tpu.memory_space<vmem>>) offsets(%dma_start3A_161 : memref<104xi32, #tpu.memory_space<vmem>>) semaphore(%arg23 : memref<!tpu.dma_semaphore, #tpu.memory_space<semaphore_mem>>)
          %dma_start3A_165 = arith.constant 0 : i32
          %dma_start3A_166 = tpu.memref_slice %arg10[%add3A_152, %dma_start3A_165] : memref<128x25xi32, #tpu.memory_space<vmem>> -> memref<1x25xi32, #tpu.memory_space<vmem>>
          %dma_start3A_167 = tpu.memref_squeeze %dma_start3A_166 : memref<1x25xi32, #tpu.memory_space<vmem>> -> memref<25xi32, #tpu.memory_space<vmem>>
          %dma_start3A_168 = arith.constant 0 : i32
          %dma_start3A_169 = arith.constant 0 : i32
          %dma_start3A_170 = arith.constant 0 : i32
          %dma_start3A_171 = tpu.memref_slice %arg6[%dma_start3A_168, %dma_start3A_169, %dma_start3A_170] : memref<256x8x56xf32, #tpu.memory_space<hbm>> -> memref<256x8x56xf32, #tpu.memory_space<hbm>>
          tpu.enqueue_indirect_dma source(%dma_start3A_171 : memref<256x8x56xf32, #tpu.memory_space<hbm>>) target(%arg18 : memref<25x8x56xf32, #tpu.memory_space<vmem>>) offsets(%dma_start3A_167 : memref<25xi32, #tpu.memory_space<vmem>>) semaphore(%arg23 : memref<!tpu.dma_semaphore, #tpu.memory_space<semaphore_mem>>)
        } else {
        }
      } else {
      }
      %add3A_117 = arith.constant 2 : i32
      %add3A_118 = arith.addi %mul3A_84, %add3A_117 : i32
      %lt3A_119 = arith.constant 128 : i32
      %lt3A_120 = arith.cmpi slt, %add3A_118, %lt3A_119 : i32
      %convert_element_type3A_121 = arith.extui %lt3A_120 : i1 to i32
      %cond3A_122 = arith.constant 0 : i32
      %cond3A_123 = arith.cmpi ne, %convert_element_type3A_121, %cond3A_122 : i32
      scf.if %cond3A_123 {
        %mul3A_124 = arith.constant 200 : i32
        %mul3A_125 = arith.muli %mul3A_2, %mul3A_124 : i32
        %dma_wait3A_126 = arith.constant 0 : i32
        %dma_wait3A_127 = tpu.memref_slice %arg7[%mul3A_125, %dma_wait3A_126] : memref<819200x128xf32, #tpu.memory_space<hbm>> -> memref<96x64xf32, #tpu.memory_space<hbm>>
        %dma_wait3A_128 = arith.constant 0 : i32
        %dma_wait3A_129 = tpu.memref_slice %arg7[%mul3A_125, %dma_wait3A_128] : memref<819200x128xf32, #tpu.memory_space<hbm>> -> memref<96x64xf32, #tpu.memory_space<hbm>>
        tpu.wait_dma2 semaphore(%arg27 : memref<!tpu.dma_semaphore, #tpu.memory_space<semaphore_mem>>) src(%arg15 : memref<96x64xf32, #tpu.memory_space<vmem>>) dst(%dma_wait3A_129 : memref<96x64xf32, #tpu.memory_space<hbm>>)
        %mul3A_130 = arith.constant 200 : i32
        %mul3A_131 = arith.muli %mul3A_2, %mul3A_130 : i32
        %dma_wait3A_132 = arith.constant 0 : i32
        %dma_wait3A_133 = tpu.memref_slice %arg7[%mul3A_131, %dma_wait3A_132] : memref<819200x128xf32, #tpu.memory_space<hbm>> -> memref<104x64xf32, #tpu.memory_space<hbm>>
        %dma_wait3A_134 = arith.constant 0 : i32
        %dma_wait3A_135 = tpu.memref_slice %arg7[%mul3A_131, %dma_wait3A_134] : memref<819200x128xf32, #tpu.memory_space<hbm>> -> memref<104x64xf32, #tpu.memory_space<hbm>>
        tpu.wait_dma2 semaphore(%arg27 : memref<!tpu.dma_semaphore, #tpu.memory_space<semaphore_mem>>) src(%arg16 : memref<104x64xf32, #tpu.memory_space<vmem>>) dst(%dma_wait3A_135 : memref<104x64xf32, #tpu.memory_space<hbm>>)
        %dma_wait3A_136 = arith.constant 0 : i32
        %dma_wait3A_137 = arith.constant 0 : i32
        %dma_wait3A_138 = arith.constant 0 : i32
        %dma_wait3A_139 = tpu.memref_slice %arg6[%dma_wait3A_136, %dma_wait3A_137, %dma_wait3A_138] : memref<256x8x56xf32, #tpu.memory_space<hbm>> -> memref<25x8x56xf32, #tpu.memory_space<hbm>>
        %dma_wait3A_140 = arith.constant 0 : i32
        %dma_wait3A_141 = arith.constant 0 : i32
        %dma_wait3A_142 = arith.constant 0 : i32
        %dma_wait3A_143 = tpu.memref_slice %arg6[%dma_wait3A_140, %dma_wait3A_141, %dma_wait3A_142] : memref<256x8x56xf32, #tpu.memory_space<hbm>> -> memref<25x8x56xf32, #tpu.memory_space<hbm>>
        tpu.wait_dma2 semaphore(%arg27 : memref<!tpu.dma_semaphore, #tpu.memory_space<semaphore_mem>>) src(%dma_wait3A_143 : memref<25x8x56xf32, #tpu.memory_space<hbm>>) dst(%arg19 : memref<25x8x56xf32, #tpu.memory_space<vmem>>)
        %add3A_144 = arith.constant 3 : i32
        %add3A_145 = arith.addi %add3A_118, %add3A_144 : i32
        %lt3A_146 = arith.constant 128 : i32
        %lt3A_147 = arith.cmpi slt, %add3A_145, %lt3A_146 : i32
        %convert_element_type3A_148 = arith.extui %lt3A_147 : i1 to i32
        %cond3A_149 = arith.constant 0 : i32
        %cond3A_150 = arith.cmpi ne, %convert_element_type3A_148, %cond3A_149 : i32
        scf.if %cond3A_150 {
          %add3A_151 = arith.constant 3 : i32
          %add3A_152 = arith.addi %add3A_118, %add3A_151 : i32
          %dma_start3A_153 = arith.constant 0 : i32
          %dma_start3A_154 = tpu.memref_slice %arg9[%add3A_152, %dma_start3A_153] : memref<128x200xi32, #tpu.memory_space<vmem>> -> memref<1x96xi32, #tpu.memory_space<vmem>>
          %dma_start3A_155 = tpu.memref_squeeze %dma_start3A_154 : memref<1x96xi32, #tpu.memory_space<vmem>> -> memref<96xi32, #tpu.memory_space<vmem>>
          %dma_start3A_156 = arith.constant 0 : i32
          %dma_start3A_157 = arith.constant 0 : i32
          %dma_start3A_158 = tpu.memref_slice %arg5[%dma_start3A_156, %dma_start3A_157] : memref<1000000x64xf32, #tpu.memory_space<hbm>> -> memref<1000000x64xf32, #tpu.memory_space<hbm>>
          tpu.enqueue_indirect_dma source(%dma_start3A_158 : memref<1000000x64xf32, #tpu.memory_space<hbm>>) target(%arg15 : memref<96x64xf32, #tpu.memory_space<vmem>>) offsets(%dma_start3A_155 : memref<96xi32, #tpu.memory_space<vmem>>) semaphore(%arg24 : memref<!tpu.dma_semaphore, #tpu.memory_space<semaphore_mem>>)
          %dma_start3A_159 = arith.constant 96 : i32
          %dma_start3A_160 = tpu.memref_slice %arg9[%add3A_152, %dma_start3A_159] : memref<128x200xi32, #tpu.memory_space<vmem>> -> memref<1x104xi32, #tpu.memory_space<vmem>>
          %dma_start3A_161 = tpu.memref_squeeze %dma_start3A_160 : memref<1x104xi32, #tpu.memory_space<vmem>> -> memref<104xi32, #tpu.memory_space<vmem>>
          %dma_start3A_162 = arith.constant 0 : i32
          %dma_start3A_163 = arith.constant 0 : i32
          %dma_start3A_164 = tpu.memref_slice %arg5[%dma_start3A_162, %dma_start3A_163] : memref<1000000x64xf32, #tpu.memory_space<hbm>> -> memref<1000000x64xf32, #tpu.memory_space<hbm>>
          tpu.enqueue_indirect_dma source(%dma_start3A_164 : memref<1000000x64xf32, #tpu.memory_space<hbm>>) target(%arg16 : memref<104x64xf32, #tpu.memory_space<vmem>>) offsets(%dma_start3A_161 : memref<104xi32, #tpu.memory_space<vmem>>) semaphore(%arg24 : memref<!tpu.dma_semaphore, #tpu.memory_space<semaphore_mem>>)
          %dma_start3A_165 = arith.constant 0 : i32
          %dma_start3A_166 = tpu.memref_slice %arg10[%add3A_152, %dma_start3A_165] : memref<128x25xi32, #tpu.memory_space<vmem>> -> memref<1x25xi32, #tpu.memory_space<vmem>>
          %dma_start3A_167 = tpu.memref_squeeze %dma_start3A_166 : memref<1x25xi32, #tpu.memory_space<vmem>> -> memref<25xi32, #tpu.memory_space<vmem>>
          %dma_start3A_168 = arith.constant 0 : i32
          %dma_start3A_169 = arith.constant 0 : i32
          %dma_start3A_170 = arith.constant 0 : i32
          %dma_start3A_171 = tpu.memref_slice %arg6[%dma_start3A_168, %dma_start3A_169, %dma_start3A_170] : memref<256x8x56xf32, #tpu.memory_space<hbm>> -> memref<256x8x56xf32, #tpu.memory_space<hbm>>
          tpu.enqueue_indirect_dma source(%dma_start3A_171 : memref<256x8x56xf32, #tpu.memory_space<hbm>>) target(%arg19 : memref<25x8x56xf32, #tpu.memory_space<vmem>>) offsets(%dma_start3A_167 : memref<25xi32, #tpu.memory_space<vmem>>) semaphore(%arg24 : memref<!tpu.dma_semaphore, #tpu.memory_space<semaphore_mem>>)
        } else {
        }
      } else {
      }
    }
    %scan3A_72 = arith.constant 43 : i32
    %mul3A_73 = arith.constant 128 : i32
    %mul3A_74 = arith.muli %add3A, %mul3A_73 : i32
    "tpu.region"() ({
      %run_scoped3A = tpu.sem_alloc : memref<!tpu.dma_semaphore, #tpu.memory_space<semaphore_mem>>
      %dma_start3A_82 = tpu.memref_slice %arg4[%mul3A_74] : memref<4096xi32, #tpu.memory_space<hbm>> -> memref<128xi32, #tpu.memory_space<hbm>>
      %dma_start3A_83 = tpu.memref_slice %arg4[%mul3A_74] : memref<4096xi32, #tpu.memory_space<hbm>> -> memref<128xi32, #tpu.memory_space<hbm>>
      tpu.enqueue_dma source(%dma_start3A_83 : memref<128xi32, #tpu.memory_space<hbm>>) target(%arg20 : memref<128xi32, #tpu.memory_space<vmem>>) target_semaphore(%run_scoped3A : memref<!tpu.dma_semaphore, #tpu.memory_space<semaphore_mem>>)
      %dma_wait3A_84 = tpu.memref_slice %arg4[%mul3A_74] : memref<4096xi32, #tpu.memory_space<hbm>> -> memref<128xi32, #tpu.memory_space<hbm>>
      %dma_wait3A_85 = tpu.memref_slice %arg4[%mul3A_74] : memref<4096xi32, #tpu.memory_space<hbm>> -> memref<128xi32, #tpu.memory_space<hbm>>
      tpu.wait_dma2 semaphore(%run_scoped3A : memref<!tpu.dma_semaphore, #tpu.memory_space<semaphore_mem>>) src(%dma_wait3A_85 : memref<128xi32, #tpu.memory_space<hbm>>) dst(%arg20 : memref<128xi32, #tpu.memory_space<vmem>>)
      tpu.yield
    }) : () -> ()
    %dma_start3A_75 = arith.constant 0 : i32
    %dma_start3A_76 = arith.constant 0 : i32
    %dma_start3A_77 = tpu.memref_slice %arg5[%dma_start3A_75, %dma_start3A_76] : memref<1000000x64xf32, #tpu.memory_space<hbm>> -> memref<1000000x64xf32, #tpu.memory_space<hbm>>
    tpu.enqueue_indirect_dma source(%dma_start3A_77 : memref<1000000x64xf32, #tpu.memory_space<hbm>>) target(%arg21 : memref<128x64xf32, #tpu.memory_space<vmem>>) offsets(%arg20 : memref<128xi32, #tpu.memory_space<vmem>>) semaphore(%arg22 : memref<!tpu.dma_semaphore, #tpu.memory_space<semaphore_mem>>)
    %dma_wait3A = arith.constant 0 : i32
    %dma_wait3A_78 = arith.constant 0 : i32
    %dma_wait3A_79 = tpu.memref_slice %arg5[%dma_wait3A, %dma_wait3A_78] : memref<1000000x64xf32, #tpu.memory_space<hbm>> -> memref<1000000x64xf32, #tpu.memory_space<hbm>>
    tpu.wait_indirect_dma semaphore(%arg22 : memref<!tpu.dma_semaphore, #tpu.memory_space<semaphore_mem>>) src(%dma_wait3A_79 : memref<1000000x64xf32, #tpu.memory_space<hbm>>) dst(%arg21 : memref<128x64xf32, #tpu.memory_space<vmem>>)
    %mul3A_80 = arith.constant 128 : i32
    %mul3A_81 = arith.muli %add3A, %mul3A_80 : i32
    "tpu.region"() ({
      %run_scoped3A = tpu.sem_alloc : memref<!tpu.dma_semaphore, #tpu.memory_space<semaphore_mem>>
      %dma_start3A_82 = arith.constant 0 : i32
      %dma_start3A_83 = tpu.memref_slice %arg8[%mul3A_81, %dma_start3A_82] : memref<4096x64xf32, #tpu.memory_space<hbm>> -> memref<128x64xf32, #tpu.memory_space<hbm>>
      %dma_start3A_84 = arith.constant 0 : i32
      %dma_start3A_85 = tpu.memref_slice %arg8[%mul3A_81, %dma_start3A_84] : memref<4096x64xf32, #tpu.memory_space<hbm>> -> memref<128x64xf32, #tpu.memory_space<hbm>>
      tpu.enqueue_dma source(%arg21 : memref<128x64xf32, #tpu.memory_space<vmem>>) target(%dma_start3A_85 : memref<128x64xf32, #tpu.memory_space<hbm>>) target_semaphore(%run_scoped3A : memref<!tpu.dma_semaphore, #tpu.memory_space<semaphore_mem>>)
      %dma_wait3A_86 = arith.constant 0 : i32
      %dma_wait3A_87 = tpu.memref_slice %arg8[%mul3A_81, %dma_wait3A_86] : memref<4096x64xf32, #tpu.memory_space<hbm>> -> memref<128x64xf32, #tpu.memory_space<hbm>>
      %dma_wait3A_88 = arith.constant 0 : i32
      %dma_wait3A_89 = tpu.memref_slice %arg8[%mul3A_81, %dma_wait3A_88] : memref<4096x64xf32, #tpu.memory_space<hbm>> -> memref<128x64xf32, #tpu.memory_space<hbm>>
      tpu.wait_dma2 semaphore(%run_scoped3A : memref<!tpu.dma_semaphore, #tpu.memory_space<semaphore_mem>>) src(%arg21 : memref<128x64xf32, #tpu.memory_space<vmem>>) dst(%dma_wait3A_89 : memref<128x64xf32, #tpu.memory_space<hbm>>)
      tpu.yield
    }) : () -> ()
    return
  }
}

</mosaic_0001>

<sc_bundles>
// kernel: kernel.3.cloned.1.call-start
scs
__scs_entry_jumppad:
0x0: {  	(pc) =	sbr.rel $0x88, $3  }
0x1: {  	(tag) =	ssettag $0x0;
	lr =	simm.s32 $0x1  }
0x2: {  	[smem:$0x3F9C] =	sst lr;
	_ =	strace $0xD0000000  }
0x3: {  	_ = 	snop  }
0x4: {  	_ = 	snop  }
0x5: {  	_ = 	snop  }
0x6: {  	_ = 	snop  }
0x7: {  	_ = 	snop  }
__scs_overlays_trampoline_lowered:
0x8: {  	[smem:$0x3FAB] =	sst s0  }
0x9: {  	[smem:$0x3FAC] =	sst s1  }
0xa: {  	[smem:$0x3FAD] =	sst s2  }
0xb: {  	[smem:$0x3FAE] =	sst s3  }
0xc: {  	[smem:$0x3FAF] =	sst s4  }
0xd: {  	[smem:$0x3FB0] =	sst s5  }
0xe: {  	[smem:$0x3FB1] =	sst s6  }
0xf: {  	[smem:$0x3FB2] =	sst s7  }
0x10: {  	[smem:$0x3FB3] =	sst s8  }
0x11: {  	[smem:$0x3FB4] =	sst s9;
	s0 =	simm.s32 @!p0 $0x0  }
0x12: {  	s1 =	sld [smem:$0x3F9A];
	s0 =	simm.s32 @p0 $0x1  }
0x13: {  	[smem:$0x3FB5] =	sst s0;
	s0 =	simm.s32 @!p1 $0x0  }
0x14: {  	s2 =	sld [smem:$0x3F99];
	s0 =	simm.s32 @p1 $0x1  }
0x15: {  	[smem:$0x3FB6] =	sst s0;
	s0 =	simm.s32 @!p2 $0x0  }
0x16: {  	s3 =	sld [smem:$0x3FDB];
	s0 =	simm.s32 @p2 $0x1  }
0x17: {  	s4 =	simm.s32 $0x1BF5;
	[smem:$0x3FB8] =	sst s0  }
0x18: {  	s0 =	sld [smem:$0x3F9B];
	_ =	swait.ge [sflag:s4], $0x0  }
0x19: {  	s7 =	sld [smem:$0x3F9C]  }
0x1a: {  	s8 =	sadd.s32 $0xFFFFE003, lr  }
0x1b: {  	s9 =	sadd.s32 $0xFFFFFEF7, lr;
	s5 =	simm.s32 $0xFFFFFFFF;
	p2 =	slt.u32 s8, $0xFFFFF086  }
0x1c: {  	p1 =	slt.u32 s9, $0xF7A;
	s5 =	simm.s32 @!p2 $0x0  }
0x1d: {  	s5 =	simm.s32 @p1 $0x1;
	p0 =	seq.s32 s7, s2  }
0x1e: {  	s7 =	smul.u32 @!p0 $0xF7A, s2;
	p2 =	seq.s32 @!p0 s5, $0x0  }
0x1f: {  	s9 =	smul.u32 $0xF7A, s1;
	s8 =	simm.s32 @!p0 $0x1BF5;
	p2 =	por !p2, p0  }
0x20: {  	[sflag:s8] =	ssyncset.s32 @!p0 $0xFFFFF086;
	s6 =	sadd.s32 @!p0 s3, s7;
	s7 =	simm.s32 @!p0 $0x108  }
0x21: {  	s3 =	sadd.s32 s3, s9;
	s6 =	sadd.s32 @!p0 $0x88, s6;
	s7 =	simm.s32 @p2 $0x1082  }
0x22: {  	[simem:s7], [sflag:s8] =	dma.local @!p0 [hbm:s6], $0xF7A  }
0x23: {  	s9 =	sor.u32 $0xD0000000, s2;
	s6 =	simm.s32 $0x108;
	_ =	swait.ge @!p0 [sflag:s8], $0x0  }
0x24: {  	s3 =	sadd.s32 $0x88, s3;
	s6 =	simm.s32 @!p1 $0x1082;
	[sflag:s4] =	ssyncset.s32 $0xFFFFF086  }
0x25: {  	[simem:s6], [sflag:s4] =	dma.local [hbm:s3], $0xF7A  }
0x26: {  	[smem:$0x3F9C] =	sst s1;
	(tag) =	ssettag s2;
	_ =	strace s9  }
0x27: {  	s1 =	sld [smem:$0x3FAC]  }
0x28: {  	s2 =	sld [smem:$0x3FAD]  }
0x29: {  	s4 =	sld [smem:$0x3FAF]  }
0x2a: {  	p0 =	seq.s32 s5, $0x0;
	s5 =	sld [smem:$0x3FB0]  }
0x2b: {  	s6 =	sld [smem:$0x3FB1]  }
0x2c: {  	s7 =	sld [smem:$0x3FB2]  }
0x2d: {  	s3 =	simm.s32 $0x108;
	s8 =	sld [smem:$0x3FB3]  }
0x2e: {  	s3 =	simm.s32 @!p0 $0x1082;
	s9 =	sld [smem:$0x3FB4]  }
0x2f: {  	lr =	sadd.s32 s0, s3;
	s0 =	sld [smem:$0x3FAB]  }
0x30: {  	s3 =	sld [smem:$0x3FAE]  }
0x31: {  	[smem:$0x3FB7] =	sst s10  }
0x32: {  	s10 =	sld [smem:$0x3FB5];
	_ =	sdelay $0x3  }
0x33: {  	p0 =	seq.s32 s10, $0x1;
	s10 =	sld [smem:$0x3FB7];
	_ =	sdelay $0x3  }
0x34: {  	[smem:$0x3FB7] =	sst s10  }
0x35: {  	s10 =	sld [smem:$0x3FB6];
	_ =	sdelay $0x3  }
0x36: {  	p1 =	seq.s32 s10, $0x1;
	s10 =	sld [smem:$0x3FB7];
	_ =	sdelay $0x3  }
0x37: {  	[smem:$0x3FB7] =	sst s10  }
0x38: {  	s10 =	sld [smem:$0x3FB8]  }
0x39: {  	_ = 	snop;
	(pc) =	sbr.ind lr, $3  }
0x3a: {  	_ = 	snop  }
0x3b: {  	_ = 	snop  }
0x3c: {  	p2 =	seq.s32 s10, $0x1;
	s10 =	sld [smem:$0x3FB7]  }
0x3d: {  	_ =	shalt  }
0x3e: {  	_ =	shalt  }
0x3f: {  	_ =	shalt  }
0x40: {  	_ =	shalt  }
0x41: {  	_ =	shalt  }
0x42: {  	_ =	shalt  }
0x43: {  	_ =	shalt  }
0x44: {  	_ =	shalt  }
0x45: {  	_ =	shalt  }
0x46: {  	_ =	shalt  }
0x47: {  	_ =	shalt  }
0x48: {  	_ =	shalt  }
0x49: {  	_ =	shalt  }
0x4a: {  	_ =	shalt  }
0x4b: {  	_ =	shalt  }
0x4c: {  	_ =	shalt  }
0x4d: {  	_ =	shalt  }
0x4e: {  	_ =	shalt  }
0x4f: {  	_ =	shalt  }
0x50: {  	_ =	shalt  }
0x51: {  	_ =	shalt  }
0x52: {  	_ =	shalt  }
0x53: {  	_ =	shalt  }
0x54: {  	_ =	shalt  }
0x55: {  	_ =	shalt  }
0x56: {  	_ =	shalt  }
0x57: {  	_ =	shalt  }
0x58: {  	_ =	shalt  }
0x59: {  	_ =	shalt  }
0x5a: {  	_ =	shalt  }
0x5b: {  	_ =	shalt  }
0x5c: {  	_ =	shalt  }
0x5d: {  	_ =	shalt  }
0x5e: {  	_ =	shalt  }
0x5f: {  	_ =	shalt  }
0x60: {  	_ =	shalt  }
0x61: {  	_ =	shalt  }
0x62: {  	_ =	shalt  }
0x63: {  	_ =	shalt  }
0x64: {  	_ =	shalt  }
0x65: {  	_ =	shalt  }
0x66: {  	_ =	shalt  }
0x67: {  	_ =	shalt  }
0x68: {  	_ =	shalt  }
0x69: {  	_ =	shalt  }
0x6a: {  	_ =	shalt  }
0x6b: {  	_ =	shalt  }
0x6c: {  	_ =	shalt  }
0x6d: {  	_ =	shalt  }
0x6e: {  	_ =	shalt  }
0x6f: {  	_ =	shalt  }
0x70: {  	_ =	shalt  }
0x71: {  	_ =	shalt  }
0x72: {  	_ =	shalt  }
0x73: {  	_ =	shalt  }
0x74: {  	_ =	shalt  }
0x75: {  	_ =	shalt  }
0x76: {  	_ =	shalt  }
0x77: {  	_ =	shalt  }
0x78: {  	_ =	shalt  }
0x79: {  	_ =	shalt  }
0x7a: {  	_ =	shalt  }
0x7b: {  	_ =	shalt  }
0x7c: {  	_ =	shalt  }
0x7d: {  	_ =	shalt  }
0x7e: {  	_ =	shalt  }
0x7f: {  	_ =	shalt  }
0x80: {  	_ =	shalt  }
0x81: {  	_ =	shalt  }
0x82: {  	_ =	shalt  }
0x83: {  	_ =	shalt  }
0x84: {  	_ =	shalt  }
0x85: {  	_ =	shalt  }
0x86: {  	_ =	shalt  }
0x87: {  	_ =	shalt  }
.Lfunc_end0:
.L_simem_size_0:
called_computation.1_lowered:
.L_overlay_start_0:
0x88: {  	s2 =	sld [smem:$0x3FD9]  }
0x89: {  	s3 =	sld [smem:$0x3FFE];
	_ =	sdelay $0x1  }
0x8a: {  	s1 =	srdreg.scid  }
0x8b: {  	s0 =	sand.u32 $0x1, s1  }
0x8c: {  	s14 =	sshll.u32 s0, $0xA;
	s2 =	sadd.s32 s3, s2  }
0x8d: {  	s2 =	sadd.s32 s2, s14  }
0x8e: {  	[smem:$0x3FC3] =	sst s2  }
0x8f: {  	_ = 	snop  }
0x90: {  	s2 =	sld [smem:$0x3FD0];
	_ =	sdelay $0x2  }
0x91: {  	s4 =	simm.s32 $0xA;
	s5 =	simm.s32 $0x10;
	s15 =	sld [smem:$0x3FC7]  }
0x92: {  	[smem:s5], [sflag:s4] =	dma.local [hbm:s2], $0x1  }
0x93: {  	_ =	swait.eq [sflag:s4], $0x1  }
0x94: {  	[sflag:s4] =	ssyncset.done $0x0  }
0x95: {  	s16 =	sld [smem:$0x10];
	[sflag:s4] =	ssyncadd.s32 $0xFFFFFFFF  }
0x96: {  	s17 =	sld [smem:$0x11];
	(tm) =	ssettm $0x1  }
0x97: {  	s18 =	sld [smem:$0x3FFB];
	_ =	sdelay $0x3  }
0x98: {  	_ =	strace s18  }
0x99: {  	s5 =	sld [smem:$0x3FFC];
	_ =	sdelay $0x3  }
0x9a: {  	_ =	strace s5  }
0x9b: {  	s5 =	sld [smem:$0x3FFD];
	_ =	sdelay $0x3  }
0x9c: {  	_ =	strace s5  }
0x9d: {  	_ =	strace $0x8FFFFFFF  }
0x9e: {  	s19 =	sld [smem:$0x3FDB];
	_ =	sdelay $0x1  }
0x9f: {  	s6 =	simm.s32 $_scs_section_size  }
0xa0: {  	s7 =	simm.s32 $_size__tile_overlayer_lowered;
	s8 =	simm.s32 $_tile_overlayer_lowered  }
0xa1: {  	s22 =	simm.s32 $0x1BFF;
	s21 =	sshll.u32 s8, $0x1;
	s5 =	sadd.s32 s6, s19  }
0xa2: {  	s9 =	simm.s32 $0x0;
	s20 =	sshll.u32 s7, $0x1;
	s7 =	sadd.s32 s21, s5  }
0xa3: {  	[timem:s9], [sflag:s22] =	dma.local [hbm:s7], s20  }
0xa4: {  	_ =	swait.ge [sflag:s22], s20  }
0xa5: {  	s6 =	ssub.s32 $0x0, s20;
	[sflag:s22] =	ssyncset.done $0x0  }
0xa6: {  	[sflag:s22] =	ssyncadd.s32 s6;
	_ =	sdelay $0x1  }
0xa7: {  	s23 =	simm.s32 $0x1B8B  }
0xa8: {  	_ =	swait.ge [sflag:s23], $0x1  }
0xa9: {  	[sflag:s23] =	ssyncset.done $0x0  }
0xaa: {  	s25 =	simm.s32 $0x1B8E;
	s24 =	sld [smem:$0x3FFE];
	[sflag:s23] =	ssyncadd.s32 $0xFFFFFFFF  }
0xab: {  	s26 =	simm.s32 $execute0_lowered;
	[smem:$0x3FD2] =	sst s25  }
0xac: {  	s7 =	sshll.u32 s26, $0x1;
	_ =	strace $0x80000046;
	[dreg:$0x1] =	wrdreg $0xFFFFFFFF  }
0xad: {  	s28 =	simm.s32 $_size_execute0_lowered;
	s5 =	sadd.s32 s5, s7;
	[dreg:$0x0] =	wrdreg $0x0  }
0xae: {  	s7 =	sshll.u32 s28, $0x1;
	[dreg:$0x2] =	wrdreg s5  }
0xaf: {  	[dreg:$0x3] =	wrdreg s7  }
0xb0: {  	[dreg:$0x4] =	wrdreg $0xC0  }
0xb1: {  	_ =	task [dreg:s9], $0x5FFFF  }
0xb2: {  	[dreg:$0x1] =	wrdreg $0xFFFFFFFF  }
0xb3: {  	[dreg:$0x0] =	wrdreg $0x60  }
0xb4: {  	[dreg:$0x2] =	wrdreg s24  }
0xb5: {  	[dreg:$0x3] =	wrdreg s15  }
0xb6: {  	[dreg:$0x4] =	wrdreg s16  }
0xb7: {  	[dreg:$0x5] =	wrdreg s17  }
0xb8: {  	[dreg:$0x6] =	wrdreg $0x9  }
0xb9: {  	_ =	task.clear_ibuf [dreg:s9], $0x7FFFF;
	_ =	strace $0x90000046  }
0xba: {  	s29 =	simm.s32 $0x9;
	_ =	strace $0x80000048  }
0xbb: {  	_ =	swait.ge [sflag:s29], $0x1  }
0xbc: {  	[sflag:s29] =	ssyncadd.s32 $0xFFFFFFFF  }
0xbd: {  	_ =	strace $0x90000048  }
0xbe: {  	_ =	sfence  }
0xbf: {  	s30 =	sld [smem:$0x0];
	_ =	sdelay $0x2  }
0xc0: {  	s31 =	sshll.u32 s1, $0xD;
	s1 =	sshrl.u32 s1, $0x2  }
0xc1: {  	s3 =	sand.u32 $0x4000, s31;
	s1 =	sadd.s32 s1, s30  }
0xc2: {  	s0 =	sor.u32 s3, s0;
	s1 =	sshll.u32 s1, $0x11  }
0xc3: {  	s0 =	sor.u32 s1, s0  }
0xc4: {  	s0 =	sadd.s32 $0x8F2B, s0  }
0xc5: {  	[sflag:s0] =	ssyncadd.remote.s32 $0x1  }
0xc6: {  	_ =	sfence.sel $0xFFFF  }
0xc7: {  	[dreg:$0x0] =	wrdreg $0xFFFFFFFF;
	(pc) =	sbr.abs _section_cstart, $3  }
0xc8: {  	[dreg:$0x1] =	wrdreg $0xFFFFFFFF  }
0xc9: {  	_ =	task.clear_ibuf [dreg:s9], $0x2FFFF;
	_ =	strace $0x9FFFFFFF  }
0xca: {  	(tm) =	ssettm $0x7FFFFFFF  }
0xcb: {  	_ =	shalt  }
tec
execute0_lowered:
.L_overlay_start_1:
0x0: {  	(tag) =	ssettag $0x1  }
0x1: {  	s0 =	rddreg [dreg:$0x0]  }
0x2: {  	s1 =	rddreg [dreg:$0x1]  }
0x3: {  	s3 =	srdreg.scid;
	s2 =	rddreg [dreg:$0x2]  }
0x4: {  	s13 =	stileid.u32;
	s7 =	rddreg [dreg:$0x3];
	s14 =	simm.s32 $0x0  }
0x5: {  	s29 =	simm.s32 $0xBE00;
	s28 =	simm.s32 $0xF000;
	s30 =	simm.s32 $0x80  }
0x6: {  	s31 =	simm.s32 $0x38;
	s3 =	sand.u32 $0x1, s3;
	s17 =	smul.u32 $0x640000, s13  }
0x7: {  	s4 =	sshll.u32 s13, $0x8;
	[smem:$0x7FF] =	sst s14;
	s21 =	smul.u32 $0xC8000, s13  }
0x8: {  	s6 =	sadd.s32 $0x21600, s0;
	s5 =	sshll.u32 s3, $0x7;
	s19 =	smul.u32 $0x320000, s3  }
0x9: {  	_ =	strace $0x80000047;
	s9 =	ssub.s32 $0x2, s3;
	s3 =	smul.u32 $0x64000, s3  }
0xa: {  	s4 =	sor.u32 s5, s4;
	s11 =	sshrl.u32 s9, $0x1;
	s23 =	sadd.s32 s21, s6  }
0xb: {  	s21 =	simm.s32 $0x68;
	s5 =	smul.u32 $0x19, s4;
	s15 =	sshll.u32 s4, $0x2  }
0xc: {  	s16 =	ssub.s32 s9, s11;
	s9 =	sor.u32 $0x1, s4;
	s12 =	sshrl.u32 s4, $0x3  }
0xd: {  	s20 =	sadd.s32 s19, s17;
	s22 =	sshll.u32 s4, $0x3;
	s25 =	sadd.s32 s3, s23  }
0xe: {  	s3 =	simm.s32 $0x7;
	s19 =	simm.s32 $0x60;
	s23 =	simm.s32 $0x19  }
0xf: {  	s11 =	simm.s32 $0x5;
	s10 =	sadd.s32 s15, s0;
	s1 =	sadd.s32 s1, s12  }
0x10: {  	s7 =	sadd.s32 s7, s22;
	s26 =	sadd.s32 $0xC88, s25;
	s22 =	simm.s32 $0x8C00  }
0x11: {  	s12 =	simm.s32 $0x0;
	s8 =	sadd.s32 s5, s0;
	s5 =	sadd.s32 $0xE00, s0  }
0x12: {  	s18 =	sadd.s32 $0x4600, s10;
	s10 =	sor.u32 $0x2, s4;
	[dreg:$0x7] =	wrdreg s1  }
0x13: {  	s1 =	sshrl.u32 s20, $0x3;
	[dreg:$0x8] =	wrdreg s7;
	s0 =	smax.u32 s16, $0x1  }
0x14: {  	[dreg:$0xb] =	wrdreg s26;
	s20 =	simm.s32 $0x7400;
	s26 =	simm.s32 $0xA600  }
.Ltmp0:
0x15: {  	s7 =	simm.s32 $0x2;
	[dreg:$0x6] =	wrdreg s18;
	(pc) =	sbr.rel .LBB2_1-.Ltmp0, $4  }
0x16: {  	s8 =	sadd.s32 $0x8600, s8;
	s1 =	sadd.s32 s1, s6;
	[dreg:$0x9] =	wrdreg s0  }
0x17: {  	s0 =	sadd.s32 $0x1908, s25;
	s25 =	simm.s32 $0x40;
	[dreg:$0x5] =	wrdreg s8  }
0x18: {  	s18 =	simm.s32 $0x3;
	s24 =	sadd.s32 $0x8, s1;
	[dreg:$0xc] =	wrdreg s0  }
0x19: {  	s1 =	simm.s32 $0x1;
	s8 =	simm.s32 $0x4;
	[dreg:$0xa] =	wrdreg s24  }
.LBB2_12:
0x1a: {  	s14 =	simm.s32 $0x0  }
0x1b: {  	s0 =	rddreg [dreg:$0x7];
	s12 =	simm.s32 $0x18D40;
	s3 =	simm.s32 $0x7  }
0x1c: {  	[tilespmem:s12], [sflag:$0x7] =	stream.linear.gather [hbm4b:s0+s14], $0x80, $0x38;
	[tilespmem:$0x1ADC0] =	vst v63  }
0x1d: {  	_ =	swait.ge [sflag:s3], $0x80  }
0x1e: {  	[sflag:s3] =	ssyncset.done $0x0  }
0x1f: {  	s13 =	simm.s32 $0x18DC0;
	[sflag:s3] =	ssyncadd.s32 $0xFFFFFF80  }
0x20: {  	[tilespmem:s13], [sflag:$0x1] =	stream.indirect.gather [hbm4b:s2+s30], $0x40, s12, s30, $0xb8;
	[tilespmem:$0x1ADC0] =	vst v63  }
0x21: {  	_ =	swait.ge [sflag:s1], $0x2000  }
0x22: {  	[sflag:s1] =	ssyncset.done $0x0  }
0x23: {  	s16 =	rddreg [dreg:$0x8];
	[sflag:s1] =	ssyncadd.s32 $0xFFFFE000  }
0x24: {  	[hbm4b:s16+s14] =	stream.linear.scatter [tilespmem:s13], [sflag:$0x7], $0x2000, $0x38;
	[tilespmem:$0x1ADC0] =	vst v63  }
0x25: {  	_ =	swait.ge [sflag:s3], $0x2000  }
0x26: {  	s17 =	rddreg [dreg:$0xd]  }
0x27: {  	s24 =	rddreg [dreg:$0x9];
	s12 =	sadd.s32 $0x1, s17  }
0x28: {  	p0 =	sne.s32 s12, s24  }
.Ltmp1:
0x29: {  	_ = 	snop;
	(pc) =	sbr.rel @!p0 .LBB2_13-.Ltmp1, $3  }
0x2a: {  	_ =	sdelay $0x1  }
0x2b: {  	[sflag:s3] =	ssyncset.done $0x0  }
0x2c: {  	[sflag:s3] =	ssyncadd.s32 $0xFFFFE000  }
.LBB2_1:
0x2d: {  	[dreg:$0xd] =	wrdreg s12  }
0x2e: {  	s0 =	rddreg [dreg:$0x5]  }
0x2f: {  	[tilespmem:s14], [sflag:$0x7] =	stream.linear.gather [hbm4b:s0+s14], $0x6400, $0x38;
	[tilespmem:$0x1ADC0] =	vst v63  }
0x30: {  	_ =	swait.ge [sflag:s3], $0x6400  }
0x31: {  	[sflag:s3] =	ssyncset.done $0x0  }
0x32: {  	s16 =	simm.s32 $0x6400;
	s15 =	rddreg [dreg:$0x6];
	[sflag:s3] =	ssyncadd.s32 $0xFFFF9C00  }
0x33: {  	[tilespmem:s16], [sflag:$0x7] =	stream.linear.gather [hbm4b:s15+s14], $0x1000, $0x38;
	[tilespmem:$0x1ADC0] =	vst v63  }
0x34: {  	_ =	swait.ge [sflag:s3], $0x1000  }
0x35: {  	[sflag:s3] =	ssyncset.done $0x0  }
0x36: {  	[sflag:s3] =	ssyncadd.s32 $0xFFFFF000  }
0x37: {  	[tilespmem:s20], [sflag:$0x1] =	stream.indirect.gather [hbm4b:s2+s19], $0x40, s14, s19, $0xb8;
	[tilespmem:$0x1ADC0] =	vst v63  }
0x38: {  	_ = 	snop  }
0x39: {  	[tilespmem:s22], [sflag:$0x1] =	stream.indirect.gather [hbm4b:s2+s21], $0x40, s19, s21, $0xb8;
	[tilespmem:$0x1ADC0] =	vst v63  }
0x3a: {  	s17 =	simm.s32 $0x10A00  }
0x3b: {  	[tilespmem:s17], [sflag:$0x1] =	stream.indirect.gather [hbm4b:s5+s23], $0x1C0, s16, s23, $0xb8;
	[tilespmem:$0x1ADC0] =	vst v63  }
0x3c: {  	s24 =	simm.s32 $0xC8  }
0x3d: {  	[tilespmem:s26], [sflag:$0x2] =	stream.indirect.gather [hbm4b:s2+s19], $0x40, s24, s19, $0xb8;
	[tilespmem:$0x1ADC0] =	vst v63  }
0x3e: {  	s3 =	simm.s32 $0x128  }
0x3f: {  	[tilespmem:s29], [sflag:$0x2] =	stream.indirect.gather [hbm4b:s2+s21], $0x40, s3, s21, $0xb8;
	[tilespmem:$0x1ADC0] =	vst v63  }
0x40: {  	s12 =	simm.s32 $0x6420;
	s13 =	simm.s32 $0x135C0  }
0x41: {  	[tilespmem:s13], [sflag:$0x2] =	stream.indirect.gather [hbm4b:s5+s23], $0x1C0, s12, s23, $0xb8;
	[tilespmem:$0x1ADC0] =	vst v63  }
0x42: {  	s15 =	simm.s32 $0xD800;
	s14 =	simm.s32 $0x190  }
0x43: {  	[tilespmem:s15], [sflag:$0x3] =	stream.indirect.gather [hbm4b:s2+s19], $0x40, s14, s19, $0xb8;
	[tilespmem:$0x1ADC0] =	vst v63  }
.Ltmp2:
0x44: {  	s12 =	rddreg [dreg:$0xa];
	(pc) =	sbr.rel .LBB2_2-.Ltmp2, $4  }
0x45: {  	s16 =	simm.s32 $0x1F0;
	s17 =	simm.s32 $0x6440;
	s15 =	rddreg [dreg:$0xb]  }
0x46: {  	[tilespmem:s28], [sflag:$0x3] =	stream.indirect.gather [hbm4b:s2+s21], $0x40, s16, s21, $0xb8;
	[tilespmem:$0x1ADC0] =	vst v63  }
0x47: {  	s24 =	simm.s32 $0x16180;
	s13 =	simm.s32 $0x0;
	s16 =	rddreg [dreg:$0xc]  }
0x48: {  	[tilespmem:s24], [sflag:$0x3] =	stream.indirect.gather [hbm4b:s5+s23], $0x1C0, s17, s23, $0xb8;
	[tilespmem:$0x1ADC0] =	vst v63  }
.LBB2_10:
0x49: {  	_ =	swait.ge [sflag:s8], $0x1800  }
0x4a: {  	[sflag:s8] =	ssyncset.done $0x0  }
0x4b: {  	[sflag:s8] =	ssyncadd.s32 $0xFFFFE800  }
0x4c: {  	_ =	swait.ge [sflag:s8], $0x1A00  }
0x4d: {  	[sflag:s8] =	ssyncset.done $0x0  }
0x4e: {  	[sflag:s8] =	ssyncadd.s32 $0xFFFFE600  }
0x4f: {  	_ =	swait.ge [sflag:s8], $0x2BC0  }
0x50: {  	[sflag:s8] =	ssyncset.done $0x0  }
0x51: {  	[sflag:s8] =	ssyncadd.s32 $0xFFFFD440  }
.LBB2_11:
0x52: {  	_ =	swait.ge [sflag:s11], $0x1800  }
0x53: {  	[sflag:s11] =	ssyncset.done $0x0  }
0x54: {  	[sflag:s11] =	ssyncadd.s32 $0xFFFFE800  }
0x55: {  	_ =	swait.ge [sflag:s11], $0x1A00  }
0x56: {  	[sflag:s11] =	ssyncset.done $0x0  }
0x57: {  	s0 =	sadd.s32 @!p0 $0x4, s3;
	[sflag:s11] =	ssyncadd.s32 $0xFFFFE600  }
0x58: {  	s17 =	simm.s32 @!p0 $0x60;
	s14 =	smul.u32 @!p0 $0x320, s0;
	_ =	swait.ge [sflag:s11], $0x2BC0  }
0x59: {  	s24 =	simm.s32 @!p0 $0xA600;
	s0 =	sshll.u32 @!p0 s0, $0x5;
	[sflag:s11] =	ssyncset.done $0x0  }
0x5a: {  	s0 =	sand.u32 @!p0 $0x3FFFFFE0, s0;
	s14 =	sshra.s32 @!p0 s14, $0x2;
	[sflag:s11] =	ssyncadd.s32 $0xFFFFD440  }
0x5b: {  	[tilespmem:s24], [sflag:$0x2] =	stream.indirect.gather @!p0 [hbm4b:s2+s17], $0x40, s14, s17, $0xb8;
	[tilespmem:$0x1ADC0] =	vst v63  }
0x5c: {  	s14 =	sadd.s32 @!p0 $0x60, s14;
	s17 =	simm.s32 @!p0 $0x68;
	s24 =	simm.s32 @!p0 $0xBE00  }
0x5d: {  	[tilespmem:s24], [sflag:$0x2] =	stream.indirect.gather @!p0 [hbm4b:s2+s17], $0x40, s14, s17, $0xb8;
	[tilespmem:$0x1ADC0] =	vst v63  }
0x5e: {  	s0 =	sadd.s32 @!p0 $0x6400, s0;
	s14 =	simm.s32 @!p0 $0x19;
	s17 =	simm.s32 @!p0 $0x135C0  }
0x5f: {  	[tilespmem:s17], [sflag:$0x2] =	stream.indirect.gather @!p0 [hbm4b:s5+s14], $0x1C0, s0, s14, $0xb8;
	[tilespmem:$0x1ADC0] =	vst v63  }
0x60: {  	s0 =	simm.s32 @!p0 $0x6  }
0x61: {  	_ =	swait.ge @!p0 [sflag:s0], $0x1800  }
0x62: {  	[sflag:s0] =	ssyncset.done @!p0 $0x0  }
0x63: {  	[sflag:s0] =	ssyncadd.s32 @!p0 $0xFFFFE800  }
0x64: {  	p1 =	sgt.u32 @!p0 s13, $0x28;
	_ =	swait.ge @!p0 [sflag:s0], $0x1A00  }
0x65: {  	p1 =	por p1, p0;
	[sflag:s0] =	ssyncset.done @!p0 $0x0  }
0x66: {  	s3 =	sadd.s32 @!p1 $0x5, s3;
	[sflag:s0] =	ssyncadd.s32 @!p0 $0xFFFFE600  }
0x67: {  	s14 =	smul.u32 @!p1 $0x320, s3;
	_ =	swait.ge @!p0 [sflag:s0], $0x2BC0  }
0x68: {  	s17 =	simm.s32 @!p1 $0xD800;
	[sflag:s0] =	ssyncset.done @!p0 $0x0  }
0x69: {  	[sflag:s0] =	ssyncadd.s32 @!p0 $0xFFFFD440;
	s0 =	sshra.s32 @!p1 s14, $0x2;
	s14 =	simm.s32 @!p1 $0x60  }
0x6a: {  	[tilespmem:s17], [sflag:$0x3] =	stream.indirect.gather @!p1 [hbm4b:s2+s14], $0x40, s0, s14, $0xb8;
	[tilespmem:$0x1ADC0] =	vst v63  }
0x6b: {  	s0 =	sadd.s32 @!p1 $0x60, s0;
	s14 =	simm.s32 @!p1 $0x68;
	s17 =	simm.s32 @!p1 $0xF000  }
0x6c: {  	[tilespmem:s17], [sflag:$0x3] =	stream.indirect.gather @!p1 [hbm4b:s2+s14], $0x40, s0, s14, $0xb8;
	[tilespmem:$0x1ADC0] =	vst v63  }
0x6d: {  	s0 =	sshll.u32 @!p1 s3, $0x5  }
0x6e: {  	s13 =	sadd.s32 @!p0 $0x1, s13;
	s0 =	sand.u32 @!p1 $0x3FFFFFE0, s0  }
0x6f: {  	s3 =	simm.s32 @!p1 $0x19;
	s14 =	simm.s32 @!p1 $0x16180;
	s0 =	sadd.s32 @!p1 $0x6400, s0  }
0x70: {  	[tilespmem:s14], [sflag:$0x3] =	stream.indirect.gather @!p1 [hbm4b:s5+s3], $0x1C0, s0, s3, $0xb8;
	[tilespmem:$0x1ADC0] =	vst v63  }
0x71: {  	p1 =	sne.s32 @!p0 s13, $0x2B  }
0x72: {  	p1 =	por p0, !p1  }
.Ltmp3:
0x73: {  	_ = 	snop;
	(pc) =	sbr.rel @p1 .LBB2_12-.Ltmp3, $2  }
0x74: {  	_ =	sdelay $0x2  }
0x75: {  	s12 =	sadd.s32 @!p0 $0x2580, s12;
	s15 =	sadd.s32 @!p0 $0x2580, s15;
	s16 =	sadd.s32 @!p0 $0x2580, s16  }
.LBB2_2:
0x76: {  	_ =	swait.ge [sflag:s1], $0x1800  }
0x77: {  	s3 =	smul.u32 $0x3, s13;
	[sflag:s1] =	ssyncset.done $0x0  }
0x78: {  	[sflag:s1] =	ssyncadd.s32 $0xFFFFE800  }
0x79: {  	s0 =	sadd.s32 s4, s3;
	_ =	swait.ge [sflag:s1], $0x1A00  }
0x7a: {  	s14 =	smul.u32 $0xC80, s0;
	[sflag:s1] =	ssyncset.done $0x0  }
0x7b: {  	s0 =	smul.u32 $0x6400, s0;
	[sflag:s1] =	ssyncadd.s32 $0xFFFFE600  }
0x7c: {  	_ =	swait.ge [sflag:s1], $0x2BC0  }
0x7d: {  	s0 =	sshrl.u32 s0, $0x3;
	[sflag:s1] =	ssyncset.done $0x0  }
0x7e: {  	s14 =	sadd.s32 s6, s14;
	s0 =	sadd.s32 s6, s0;
	[sflag:s1] =	ssyncadd.s32 $0xFFFFD440  }
0x7f: {  	[hbm4b:s14+s25] =	stream.strided.scatter [tilespmem:s20], [sflag:$0x4], $0x1800, s30, s25, $0x38;
	[tilespmem:$0x1ADC0] =	vst v63  }
0x80: {  	s17 =	simm.s32 $0x10A00;
	s0 =	sadd.s32 $0x600, s0  }
0x81: {  	[hbm4b:s0+s25] =	stream.strided.scatter [tilespmem:s22], [sflag:$0x4], $0x1A00, s30, s25, $0x38;
	[tilespmem:$0x1ADC0] =	vst v63  }
0x82: {  	s24 =	simm.s32 $0x10BC0;
	s14 =	simm.s32 $0x80;
	s0 =	sadd.s32 $0x0, s12  }
.LBB2_3:
0x83: {  	[hbm4b:s0+s31] =	stream.strided.scatter [tilespmem:s17], [sflag:$0x4], $0x1C0, s30, s31, $0x38;
	[tilespmem:$0x1ADC0] =	vst v63  }
0x84: {  	s0 =	smov.u32 s14;
	s17 =	smov.u32 s24;
	p0 =	sne.s32 s14, $0xC00  }
.Ltmp4:
0x85: {  	s14 =	sadd.s32 $0x80, s14;
	(pc) =	sbr.rel @p0 .LBB2_3-.Ltmp4, $2  }
0x86: {  	_ =	sdelay $0x2  }
0x87: {  	s24 =	sadd.s32 $0x1C0, s24;
	s0 =	sadd.s32 s0, s12  }
0x88: {  	[hbm4b:s0+s31] =	stream.strided.scatter [tilespmem:s17], [sflag:$0x4], $0x1C0, s30, s31, $0x38;
	[tilespmem:$0x1ADC0] =	vst v63  }
0x89: {  	_ =	swait.ge [sflag:s7], $0x1800  }
0x8a: {  	[sflag:s7] =	ssyncset.done $0x0  }
0x8b: {  	[sflag:s7] =	ssyncadd.s32 $0xFFFFE800  }
0x8c: {  	_ =	swait.ge [sflag:s7], $0x1A00  }
0x8d: {  	s24 =	sadd.s32 s3, s9;
	[sflag:s7] =	ssyncset.done $0x0  }
0x8e: {  	s0 =	smul.u32 $0x6400, s24;
	[sflag:s7] =	ssyncadd.s32 $0xFFFFE600  }
0x8f: {  	s14 =	smul.u32 $0xC80, s24;
	_ =	swait.ge [sflag:s7], $0x2BC0  }
0x90: {  	s0 =	sshrl.u32 s0, $0x3;
	[sflag:s7] =	ssyncset.done $0x0  }
0x91: {  	s14 =	sadd.s32 s6, s14;
	s0 =	sadd.s32 s6, s0;
	[sflag:s7] =	ssyncadd.s32 $0xFFFFD440  }
0x92: {  	[hbm4b:s14+s25] =	stream.strided.scatter [tilespmem:s26], [sflag:$0x5], $0x1800, s30, s25, $0x38;
	[tilespmem:$0x1ADC0] =	vst v63  }
0x93: {  	s17 =	simm.s32 $0x135C0;
	s0 =	sadd.s32 $0x600, s0  }
0x94: {  	[hbm4b:s0+s25] =	stream.strided.scatter [tilespmem:s29], [sflag:$0x5], $0x1A00, s30, s25, $0x38;
	[tilespmem:$0x1ADC0] =	vst v63  }
0x95: {  	s24 =	simm.s32 $0x13780;
	s14 =	simm.s32 $0x80;
	s0 =	sadd.s32 $0x0, s15  }
.LBB2_5:
0x96: {  	[hbm4b:s0+s31] =	stream.strided.scatter [tilespmem:s17], [sflag:$0x5], $0x1C0, s30, s31, $0x38;
	[tilespmem:$0x1ADC0] =	vst v63  }
0x97: {  	s0 =	smov.u32 s14;
	s17 =	smov.u32 s24;
	p0 =	sne.s32 s14, $0xC00  }
.Ltmp5:
0x98: {  	s14 =	sadd.s32 $0x80, s14;
	(pc) =	sbr.rel @p0 .LBB2_5-.Ltmp5, $2  }
0x99: {  	_ =	sdelay $0x2  }
0x9a: {  	s24 =	sadd.s32 $0x1C0, s24;
	s0 =	sadd.s32 s0, s15  }
0x9b: {  	p0 =	seq.s32 s13, $0x2A  }
.Ltmp6:
0x9c: {  	_ = 	snop;
	(pc) =	sbr.rel @p0 .LBB2_10-.Ltmp6, $2  }
0x9d: {  	_ =	sdelay $0x2  }
0x9e: {  	[hbm4b:s0+s31] =	stream.strided.scatter [tilespmem:s17], [sflag:$0x5], $0x1C0, s30, s31, $0x38;
	[tilespmem:$0x1ADC0] =	vst v63  }
0x9f: {  	_ =	swait.ge [sflag:s18], $0x1800  }
0xa0: {  	[sflag:s18] =	ssyncset.done $0x0  }
0xa1: {  	[sflag:s18] =	ssyncadd.s32 $0xFFFFE800  }
0xa2: {  	s0 =	sadd.s32 s3, s10;
	_ =	swait.ge [sflag:s18], $0x1A00  }
0xa3: {  	s14 =	smul.u32 $0xC80, s0;
	[sflag:s18] =	ssyncset.done $0x0  }
0xa4: {  	s0 =	smul.u32 $0x6400, s0;
	[sflag:s18] =	ssyncadd.s32 $0xFFFFE600  }
0xa5: {  	_ =	swait.ge [sflag:s18], $0x2BC0  }
0xa6: {  	s17 =	simm.s32 $0xD800;
	s0 =	sshrl.u32 s0, $0x3;
	[sflag:s18] =	ssyncset.done $0x0  }
0xa7: {  	s14 =	sadd.s32 s6, s14;
	s0 =	sadd.s32 s6, s0;
	[sflag:s18] =	ssyncadd.s32 $0xFFFFD440  }
0xa8: {  	[hbm4b:s14+s25] =	stream.strided.scatter [tilespmem:s17], [sflag:$0x6], $0x1800, s30, s25, $0x38;
	[tilespmem:$0x1ADC0] =	vst v63  }
0xa9: {  	s24 =	simm.s32 $0x16340;
	s0 =	sadd.s32 $0x600, s0  }
0xaa: {  	[hbm4b:s0+s25] =	stream.strided.scatter [tilespmem:s28], [sflag:$0x6], $0x1A00, s30, s25, $0x38;
	[tilespmem:$0x1ADC0] =	vst v63  }
0xab: {  	s17 =	simm.s32 $0x16180;
	s14 =	simm.s32 $0x80;
	s0 =	sadd.s32 $0x0, s16  }
.LBB2_8:
0xac: {  	[hbm4b:s0+s31] =	stream.strided.scatter [tilespmem:s17], [sflag:$0x6], $0x1C0, s30, s31, $0x38;
	[tilespmem:$0x1ADC0] =	vst v63  }
0xad: {  	s0 =	smov.u32 s14;
	s17 =	smov.u32 s24;
	p1 =	sne.s32 s14, $0xC00  }
.Ltmp7:
0xae: {  	s14 =	sadd.s32 $0x80, s14;
	(pc) =	sbr.rel @p1 .LBB2_8-.Ltmp7, $2  }
0xaf: {  	_ =	sdelay $0x2  }
0xb0: {  	s24 =	sadd.s32 $0x1C0, s24;
	s0 =	sadd.s32 s0, s16  }
0xb1: {  	[hbm4b:s0+s31] =	stream.strided.scatter [tilespmem:s17], [sflag:$0x6], $0x1C0, s30, s31, $0x38;
	[tilespmem:$0x1ADC0] =	vst v63  }
0xb2: {  	_ =	swait.ge [sflag:s8], $0x1800  }
0xb3: {  	[sflag:s8] =	ssyncset.done $0x0  }
0xb4: {  	[sflag:s8] =	ssyncadd.s32 $0xFFFFE800  }
0xb5: {  	_ =	swait.ge [sflag:s8], $0x1A00  }
0xb6: {  	[sflag:s8] =	ssyncset.done $0x0  }
0xb7: {  	s17 =	sadd.s32 $0x3, s3;
	[sflag:s8] =	ssyncadd.s32 $0xFFFFE600  }
0xb8: {  	s14 =	smul.u32 $0x320, s17;
	_ =	swait.ge [sflag:s8], $0x2BC0  }
0xb9: {  	[sflag:s8] =	ssyncset.done $0x0  }
0xba: {  	s14 =	sshra.s32 s14, $0x2;
	[sflag:s8] =	ssyncadd.s32 $0xFFFFD440  }
0xbb: {  	[tilespmem:s20], [sflag:$0x1] =	stream.indirect.gather [hbm4b:s2+s19], $0x40, s14, s19, $0xb8;
	[tilespmem:$0x1ADC0] =	vst v63  }
.Ltmp8:
0xbc: {  	s0 =	sshll.u32 s17, $0x5;
	(pc) =	sbr.rel .LBB2_11-.Ltmp8, $4  }
0xbd: {  	s0 =	sand.u32 $0x3FFFFFE0, s0;
	s14 =	sadd.s32 $0x60, s14  }
0xbe: {  	[tilespmem:s22], [sflag:$0x1] =	stream.indirect.gather [hbm4b:s2+s21], $0x40, s14, s21, $0xb8;
	[tilespmem:$0x1ADC0] =	vst v63  }
0xbf: {  	s24 =	simm.s32 $0x10A00;
	s0 =	sadd.s32 $0x6400, s0  }
0xc0: {  	[tilespmem:s24], [sflag:$0x1] =	stream.indirect.gather [hbm4b:s5+s23], $0x1C0, s0, s23, $0xb8;
	[tilespmem:$0x1ADC0] =	vst v63  }
.LBB2_13:
0xc1: {  	_ =	sfence.sel $0x180000  }
0xc2: {  	[bflag:$0x0] =	sbarrier.arrive $0xFFFF  }
0xc3: {  	_ =	strace $0x90000047  }
0xc4: {  	s0 =	stileid.u32;
	[bflag:$0x2] =	sbarrier.arrive $0xFFFF  }
0xc5: {  	p0 =	sne.s32 s0, $0x0;
	s0 =	rddreg [dreg:$0x4]  }
0xc6: {  	s0 =	sadd.s32 @!p0 $0x100000, s0  }
0xc7: {  	[sflag:s0] =	ssyncadd.tile.s32 @!p0 $0x1;
	_ =	shalt  }
.Lfunc_end2:
_tile_overlayer_lowered:
.L_overlay_start_2:
0xc8: {  	(tag) =	ssettag $0x2  }
0xc9: {  	s0 =	rddreg [dreg:$0x0];
	s2 =	stileid.u32  }
0xca: {  	s1 =	rddreg [dreg:$0x1];
	p0 =	sne.s32 s2, $0x0  }
0xcb: {  	s3 =	rddreg [dreg:$0x2];
	[bflag:$0x3] =	sbarrier.arrive $0xFFFF;
	s2 =	simm.s32 @!p0 $0x1C07  }
0xcc: {  	[timem:s3], [sflag:s2] =	dma.local @!p0 [hbm:s0], s1  }
0xcd: {  	s0 =	simm.s32 @!p0 $0x7  }
0xce: {  	_ =	swait.ge @!p0 [sflag:s0], s1  }
0xcf: {  	s1 =	ssub.s32 @!p0 $0x0, s1;
	[sflag:s0] =	ssyncset.done @!p0 $0x0  }
0xd0: {  	[sflag:s0] =	ssyncadd.s32 @!p0 s1  }
0xd1: {  	[bflag:$0x3] =	sbarrier.arrive $0xFFFF  }
0xd2: {  	_ =	shalt  }

// kernel: sparse-core-data-format-call.cloned.1.call-start
scs
called_computation_lowered:
.L_overlay_start_0:
0x0: {  	s2 =	sld [smem:$0x3FD9]  }
0x1: {  	s3 =	sld [smem:$0x3FFE];
	_ =	sdelay $0x1  }
0x2: {  	s1 =	srdreg.scid  }
0x3: {  	s0 =	sand.u32 $0x1, s1  }
0x4: {  	s15 =	sshll.u32 s0, $0xA;
	s2 =	sadd.s32 s3, s2  }
0x5: {  	s2 =	sadd.s32 s2, s15  }
0x6: {  	[smem:$0x3FC3] =	sst s2  }
0x7: {  	_ = 	snop  }
0x8: {  	s2 =	sld [smem:$0x3FD0];
	_ =	sdelay $0x2  }
0x9: {  	s16 =	simm.s32 $0xA;
	s4 =	simm.s32 $0x10  }
0xa: {  	[smem:s4], [sflag:s16] =	dma.local [hbm:s2], $0x1  }
0xb: {  	_ =	swait.eq [sflag:s16], $0x1  }
0xc: {  	[sflag:s16] =	ssyncset.done $0x0  }
0xd: {  	[sflag:s16] =	ssyncadd.s32 $0xFFFFFFFF  }
0xe: {  	s17 =	sld [smem:$0x10];
	(tm) =	ssettm $0x1  }
0xf: {  	s18 =	sld [smem:$0x3FFB];
	_ =	sdelay $0x3  }
0x10: {  	_ =	strace s18  }
0x11: {  	s3 =	sld [smem:$0x3FFC];
	_ =	sdelay $0x3  }
0x12: {  	_ =	strace s3  }
0x13: {  	s3 =	sld [smem:$0x3FFD];
	_ =	sdelay $0x3  }
0x14: {  	_ =	strace s3  }
0x15: {  	_ =	strace $0x8FFFFFFF  }
0x16: {  	s19 =	sld [smem:$0x3FDB];
	_ =	sdelay $0x1  }
0x17: {  	s20 =	simm.s32 $_scs_section_size  }
0x18: {  	s5 =	simm.s32 $_size__tile_overlayer_lowered;
	s6 =	simm.s32 $_tile_overlayer_lowered  }
0x19: {  	s23 =	simm.s32 $0x1BFF;
	s22 =	sshll.u32 s6, $0x1;
	s3 =	sadd.s32 s20, s19  }
0x1a: {  	s7 =	simm.s32 $0x0;
	s21 =	sshll.u32 s5, $0x1;
	s5 =	sadd.s32 s22, s3  }
0x1b: {  	[timem:s7], [sflag:s23] =	dma.local [hbm:s5], s21  }
0x1c: {  	_ =	swait.ge [sflag:s23], s21  }
0x1d: {  	s4 =	ssub.s32 $0x0, s21;
	[sflag:s23] =	ssyncset.done $0x0  }
0x1e: {  	[sflag:s23] =	ssyncadd.s32 s4;
	_ =	sdelay $0x1  }
0x1f: {  	s24 =	simm.s32 $0x1B8B  }
0x20: {  	_ =	swait.ge [sflag:s24], $0x1  }
0x21: {  	[sflag:s24] =	ssyncset.done $0x0  }
0x22: {  	s26 =	simm.s32 $0x1B8E;
	s25 =	sld [smem:$0x3FFE];
	[sflag:s24] =	ssyncadd.s32 $0xFFFFFFFF  }
0x23: {  	s27 =	simm.s32 $execute0_lowered;
	[smem:$0x3FD2] =	sst s26  }
0x24: {  	s5 =	sshll.u32 s27, $0x1;
	_ =	strace $0x80000049;
	[dreg:$0x1] =	wrdreg $0xFFFFFFFF  }
0x25: {  	s28 =	simm.s32 $_size_execute0_lowered;
	s3 =	sadd.s32 s3, s5;
	[dreg:$0x0] =	wrdreg $0x0  }
0x26: {  	s5 =	sshll.u32 s28, $0x1;
	[dreg:$0x2] =	wrdreg s3  }
0x27: {  	[dreg:$0x3] =	wrdreg s5  }
0x28: {  	[dreg:$0x4] =	wrdreg $0xC0  }
0x29: {  	_ =	task [dreg:s7], $0x5FFFF  }
0x2a: {  	[dreg:$0x1] =	wrdreg $0xFFFFFFFF  }
0x2b: {  	[dreg:$0x0] =	wrdreg $0x60  }
0x2c: {  	[dreg:$0x2] =	wrdreg s25  }
0x2d: {  	[dreg:$0x3] =	wrdreg s17  }
0x2e: {  	[dreg:$0x4] =	wrdreg $0x9  }
0x2f: {  	_ =	task.clear_ibuf [dreg:s7], $0x5FFFF;
	_ =	strace $0x90000049  }
0x30: {  	s29 =	simm.s32 $0x9;
	_ =	strace $0x8000004B  }
0x31: {  	_ =	swait.ge [sflag:s29], $0x1  }
0x32: {  	[sflag:s29] =	ssyncadd.s32 $0xFFFFFFFF  }
0x33: {  	_ =	strace $0x9000004B  }
0x34: {  	_ =	sfence  }
0x35: {  	s30 =	sld [smem:$0x0];
	_ =	sdelay $0x2  }
0x36: {  	s31 =	sshll.u32 s1, $0xD;
	s1 =	sshrl.u32 s1, $0x2  }
0x37: {  	s3 =	sand.u32 $0x4000, s31;
	s1 =	sadd.s32 s1, s30  }
0x38: {  	s0 =	sor.u32 s3, s0;
	s1 =	sshll.u32 s1, $0x11  }
0x39: {  	s0 =	sor.u32 s1, s0  }
0x3a: {  	s0 =	sadd.s32 $0x8F2B, s0  }
0x3b: {  	[sflag:s0] =	ssyncadd.remote.s32 $0x1  }
0x3c: {  	_ =	sfence.sel $0xFFFF  }
0x3d: {  	[dreg:$0x0] =	wrdreg $0xFFFFFFFF;
	(pc) =	sbr.abs _section_cstart, $3  }
0x3e: {  	[dreg:$0x1] =	wrdreg $0xFFFFFFFF  }
0x3f: {  	_ =	task.clear_ibuf [dreg:s7], $0x2FFFF;
	_ =	strace $0x9FFFFFFF  }
0x40: {  	(tm) =	ssettm $0x7FFFFFFF  }
0x41: {  	_ =	shalt  }
tec
execute0_lowered:
.L_overlay_start_1:
0x0: {  	(tag) =	ssettag $0x1  }
0x1: {  	s0 =	srdreg.scid  }
0x2: {  	s1 =	sshll.u32 s0, $0x4  }
0x3: {  	s6 =	rddreg [dreg:$0x0];
	s0 =	stileid.u32;
	s1 =	sand.u32 $0x10, s1  }
0x4: {  	s3 =	rddreg [dreg:$0x1];
	s1 =	sor.u32 s0, s1  }
0x5: {  	s5 =	simm.s32 $0x1;
	s31 =	simm.s32 $0x2;
	s2 =	sshll.u32 s1, $0x7  }
0x6: {  	s15 =	simm.s32 $0x0;
	s8 =	simm.s32 $0xC8000;
	s4 =	ssub.s32 $0x1000, s2  }
0x7: {  	s14 =	simm.s32 $0x0;
	s9 =	simm.s32 $0x0;
	s30 =	sand.u32 $0xF80, s4  }
0x8: {  	s10 =	simm.s32 $0x0;
	s11 =	simm.s32 $0x0;
	p0 =	sne.s32 s30, $0x0  }
.Ltmp0:
0x9: {  	s7 =	sshrl.u32 s4, $0xC;
	s5 =	simm.s32 @!p0 $0x0;
	(pc) =	sbr.rel .LBB1_1-.Ltmp0, $4  }
0xa: {  	s13 =	simm.s32 $0x0;
	s1 =	rddreg [dreg:$0x2];
	s5 =	sadd.s32 s5, s7  }
0xb: {  	_ =	strace $0x8000004A;
	s4 =	simm.s32 $0x1;
	s5 =	smul.u32 $0xC8, s5  }
0xc: {  	s6 =	sadd.s32 $0x21600, s6;
	s12 =	smov.u32 s2;
	[sflag:s4] =	ssyncpa.u1 $0x0  }
0xd: {  	[sflag:s31] =	ssyncpa.u1 $0x0;
	p0 =	por $0x0, $0x0;
	s7 =	sor.u32 $0x1, s5  }
.LBB1_4:
0xe: {  	s20 =	sshra.s32 s20, $0x2;
	s27 =	sshll.u32 s9, $0xC  }
0xf: {  	s21 =	sand.u32 $0x78, s10;
	s22 =	sshll.u32 s10, $0x3;
	s24 =	sshll.u32 s9, $0x7  }
0x10: {  	p1 =	sgt.s32 s9, $0xC7;
	s30 =	sshra.s32 s9, $0x1F;
	s25 =	sshra.s32 s10, $0x1F  }
0x11: {  	s19 =	sadd.s32 s20, s19;
	s20 =	sand.u32 $0xFFFF8000, s27;
	s23 =	sand.u32 $0xFFFFFC00, s22  }
0x12: {  	v5 =	vld [tilespmem:s17+$0xFFFFFFD0];
	[tilespmem:s18+$0x2040 ss:$0x81] =	vst.msk $0xffff, v4;
	s22 =	sand.u32 $0xC00, s22;
	s28 =	sand.u32 $0x380, s24;
	s31 =	sand.u32 s30, s9  }
0x13: {  	v58 =	vld [tilespmem:s17+$0xFFFFFFE0];
	[tilespmem:s18+$0x2850 ss:$0x81] =	vst.msk $0xffff, v3;
	s24 =	smov.u32 s10;
	s25 =	sand.u32 s25, s10;
	s20 =	sadd.s32 s23, s20  }
0x14: {  	v59 =	vld [tilespmem:s17+$0xFFFFFFF0];
	[tilespmem:s18+$0x3060 ss:$0x81] =	vst.msk $0xffff, v2;
	s21 =	sor.u32 s21, s22;
	s22 =	smov.u32 s9;
	s20 =	sshrl.u32 s20, $0xC  }
0x15: {  	v60 =	vld [tilespmem:s17+$0x0];
	[tilespmem:s18+$0x0 ss:$0x81] =	vst.msk $0xffff, v1;
	s22 =	simm.s32 @!p1 $0xC7;
	p1 =	sgt.s32 s10, $0xF80;
	s29 =	smulhi.u32 $0x147AE15, s20  }
0x16: {  	v61 =	vld [tilespmem:s17+$0x10];
	[tilespmem:s19+$0x3870 ss:$0x81] =	vst.msk $0xffff, v0;
	s21 =	sor.u32 s28, s21;
	s18 =	ssub.s32 s22, s31;
	s24 =	simm.s32 @!p1 $0xF80  }
0x17: {  	v62 =	vld [tilespmem:s17+$0x20];
	[tilespmem:s19+$0x810 ss:$0x81] =	vst.msk $0xffff, v5;
	s22 =	ssub.s32 s24, s25;
	s26 =	ssub.s32 $0xC8, s18;
	s23 =	smul.u32 $0xC8, s29  }
0x18: {  	v63 =	vld [tilespmem:s17+$0xFFFFFFC0];
	[tilespmem:s19+$0x1020 ss:$0x81] =	vst.msk $0xffff, v58;
	s27 =	sadd.s32 $0xFFFFFF39, s18;
	s18 =	smul.u32 $0x72, s26;
	s28 =	sadd.s32 $0xFFFFF080, s22  }
0x19: {  	[tilespmem:s19+$0x1830 ss:$0x81] =	vst.msk $0xffff, v59;
	p1 =	sgt.s32 s27, $0x0;
	s17 =	ssub.s32 $0x1000, s22;
	p2 =	sgt.s32 s28, $0x7F  }
0x1a: {  	s30 =	sand.u32 $0x7, s10;
	[tilespmem:s19+$0x2040 ss:$0x81] =	vst.msk $0xffff, v60;
	s18 =	simm.s32 @p1 $0x0;
	s17 =	simm.s32 @p2 $0x0  }
0x1b: {  	[tilespmem:s19+$0x2850 ss:$0x81] =	vst.msk $0xffff, v61;
	s29 =	sshrl.u32 s21, $0x3;
	s20 =	ssub.s32 s20, s23;
	s17 =	smul.u32 s17, s18  }
0x1c: {  	[tilespmem:s19+$0x3060 ss:$0x81] =	vst.msk $0xffff, v62;
	s21 =	sshll.u32 s30, $0x12;
	s20 =	sshll.u32 s20, $0x9;
	s18 =	sadd.s32 s3, s29  }
0x1d: {  	[tilespmem:s19+$0x0 ss:$0x81] =	vst.msk $0xffff, v63;
	s31 =	sor.u32 $0x80, s21;
	s18 =	sadd.s32 s20, s18;
	s17 =	sand.u32 $0x3FFFFFFE, s17  }
0x1e: {  	[hbm4b:s18+s31] =	stream.strided.scatter [tilespmem:s16], [sflag:$0x2], s17, s8, s31, $0x20;
	[tilespmem:$0x10100] =	vst v63  }
.LBB1_5:
0x1f: {  	p1 =	slt.u32 s13, $0x2  }
0x20: {  	s17 =	smov.u32 s15;
	p2 =	sgt.s32 @!p1 s15, $0xC7;
	s16 =	sshra.s32 @!p1 s15, $0x1F  }
0x21: {  	p3 =	sgt.s32 @!p1 s14, $0xF80;
	s18 =	sshra.s32 @!p1 s14, $0x1F;
	p2 =	por !p2, p1  }
0x22: {  	s15 =	sand.u32 @!p1 s16, s15;
	p3 =	por !p3, p1;
	s16 =	smov.u32 s14  }
0x23: {  	s14 =	sand.u32 @!p1 s18, s14;
	s17 =	simm.s32 @p2 $0xC7;
	s16 =	simm.s32 @p3 $0xF80  }
0x24: {  	s18 =	smov.u32 s12;
	s15 =	ssub.s32 @!p1 s17, s15;
	s14 =	ssub.s32 @!p1 s16, s14  }
0x25: {  	s16 =	sadd.s32 @!p1 $0xFFFFFF39, s15;
	s15 =	ssub.s32 @!p1 $0xC8, s15;
	s17 =	sadd.s32 @!p1 $0xFFFFF080, s14  }
0x26: {  	p2 =	sgt.s32 @!p1 s16, $0x0;
	s15 =	smul.u32 @!p1 $0x72, s15;
	p3 =	sgt.s32 @!p1 s17, $0x7F  }
0x27: {  	s14 =	ssub.s32 @!p1 $0x1000, s14;
	p2 =	por !p2, p1;
	p3 =	por !p3, p1  }
0x28: {  	s16 =	sadd.s32 $0x1, s11;
	s15 =	simm.s32 @!p2 $0x0;
	s14 =	simm.s32 @!p3 $0x0  }
0x29: {  	p2 =	sgt.s32 s16, $0xC7;
	s14 =	smul.u32 @!p1 s14, s15;
	s15 =	sadd.s32 $0x1000, s12  }
0x2a: {  	s18 =	smov.u32 @p2 s15  }
0x2b: {  	s16 =	simm.s32 @p2 $0x0;
	p2 =	sgt.s32 s18, $0xFFF  }
0x2c: {  	s18 =	smov.u32 @p2 s2;
	p2 =	sne.s32 s13, s7  }
.Ltmp1:
0x2d: {  	p0 =	por !p0, !p0;
	s17 =	simm.s32 @!p1 $0x2;
	(pc) =	sbr.rel @!p2 .LBB1_6-.Ltmp1, $4  }
0x2e: {  	s15 =	smov.u32 s9;
	s9 =	smov.u32 s11;
	s14 =	sand.u32 @!p1 $0x3FFFFFFE, s14  }
0x2f: {  	s11 =	smov.u32 s16;
	_ =	swait.ge @!p1 [sflag:s17], s14;
	s19 =	ssub.s32 @!p1 $0x0, s14  }
0x30: {  	s14 =	smov.u32 s10;
	s13 =	sadd.s32 $0x1, s13;
	[sflag:s17] =	ssyncset.done @!p1 $0x0  }
0x31: {  	s10 =	smov.u32 s12;
	s12 =	smov.u32 s18;
	[sflag:s17] =	ssyncadd.s32 @!p1 s19  }
.LBB1_1:
0x32: {  	p1 =	sge.u32 s13, s5  }
0x33: {  	s16 =	sand.u32 @!p1 $0x1FFFFFF, s11  }
0x34: {  	s17 =	smulhi.u32 @!p1 $0x147AE15, s16;
	_ =	sdelay $0x1  }
0x35: {  	s17 =	smul.u32 @!p1 $0xC8, s17  }
0x36: {  	s18 =	sxor.u32 @!p1 $0xFFFFFFFF, s13;
	s19 =	smul.u32 @!p1 $0xC80, s12  }
0x37: {  	s31 =	sadd.s32 $0xFFFFFFFF, s13;
	s18 =	sshll.u32 @!p1 s18, $0xE;
	s16 =	ssub.s32 @!p1 s16, s17  }
0x38: {  	s17 =	sand.u32 @!p1 $0x4000, s18;
	s18 =	sadd.s32 @!p1 s6, s19;
	s16 =	sshll.u32 @!p1 s16, $0x4  }
0x39: {  	s19 =	simm.s32 @!p1 $0x6400;
	s16 =	sadd.s32 @!p1 s16, s18;
	s18 =	simm.s32 @!p1 $0x80  }
0x3a: {  	[tilespmem:s17], [sflag:$0x1] =	stream.strided.gather @!p1 [hbm4b:s16+s18], $0x4000, s19, s18, $0x38;
	[tilespmem:$0x10100] =	vst v63  }
0x3b: {  	p1 =	sge.u32 s31, s5  }
.Ltmp2:
0x3c: {  	_ = 	snop;
	(pc) =	sbr.rel @p1 .LBB1_5-.Ltmp2, $1  }
0x3d: {  	_ =	sdelay $0x3  }
0x3e: {  	s16 =	simm.s32 $0x1  }
0x3f: {  	_ =	swait.ge [sflag:s4], $0x4000;
	s16 =	simm.s32 @!p0 $0x0  }
0x40: {  	[sflag:s4] =	ssyncset.done $0x0;
	s17 =	sshll.u32 s16, $0xE  }
0x41: {  	[sflag:s4] =	ssyncadd.s32 $0xFFFFC000;
	s17 =	sor.u32 $0x40, s17  }
0x42: {  	s16 =	smul.u32 $0x10200, s16;
	v0 =	vld [tilespmem:s17+$0x30]  }
0x43: {  	v1 =	vld [tilespmem:s17+$0xFFFFFFD0]  }
0x44: {  	s16 =	sshrl.u32 s16, $0x2;
	v5 =	vld [tilespmem:s17+$0xFFFFFFE0]  }
0x45: {  	v6 =	vld [tilespmem:s17+$0xFFFFFFF0];
	s19 =	sor.u32 $0x8000, s16  }
0x46: {  	s31 =	sand.u32 $0x1, s13;
	v4 =	vld [tilespmem:s17+$0x0];
	s18 =	sadd.s32 $0x0, s19  }
0x47: {  	v3 =	vld [tilespmem:s17+$0x10];
	s16 =	smul.u32 $0x10200, s31;
	[tilespmem:s18+$0x3870 ss:$0x81] =	vst.msk $0xffff, v0  }
0x48: {  	v2 =	vld [tilespmem:s17+$0x20];
	[tilespmem:s18+$0x810 ss:$0x81] =	vst.msk $0xffff, v1  }
0x49: {  	s16 =	sshrl.u32 s16, $0x2;
	v1 =	vld [tilespmem:s17+$0xFFFFFFC0];
	[tilespmem:s18+$0x1020 ss:$0x81] =	vst.msk $0xffff, v5;
	s17 =	sadd.s32 $0x80, s17  }
0x4a: {  	s20 =	simm.s32 $0x4;
	s21 =	simm.s32 $0x8;
	s16 =	sor.u32 $0x8000, s16;
	[tilespmem:s18+$0x1830 ss:$0x81] =	vst.msk $0xffff, v6;
	v0 =	vld [tilespmem:s17+$0x30]  }
.LBB1_3:
0x4b: {  	p1 =	sne.s32 s21, $0x1FC;
	v5 =	vld [tilespmem:s17+$0xFFFFFFD0];
	[tilespmem:s18+$0x2040 ss:$0x81] =	vst.msk $0xffff, v4  }
0x4c: {  	v6 =	vld [tilespmem:s17+$0xFFFFFFE0];
	[tilespmem:s18+$0x2850 ss:$0x81] =	vst.msk $0xffff, v3  }
0x4d: {  	s22 =	sshra.s32 s20, $0x2;
	s20 =	smov.u32 s21;
	v7 =	vld [tilespmem:s17+$0xFFFFFFF0];
	[tilespmem:s18+$0x3060 ss:$0x81] =	vst.msk $0xffff, v2  }
.Ltmp3:
0x4e: {  	v4 =	vld [tilespmem:s17+$0x0];
	[tilespmem:s18+$0x0 ss:$0x81] =	vst.msk $0xffff, v1;
	s18 =	sadd.s32 s22, s19;
	(pc) =	sbr.rel @p1 .LBB1_3-.Ltmp3, $4  }
0x4f: {  	v3 =	vld [tilespmem:s17+$0x10];
	[tilespmem:s18+$0x3870 ss:$0x81] =	vst.msk $0xffff, v0  }
0x50: {  	[tilespmem:s18+$0x810 ss:$0x81] =	vst.msk $0xffff, v5;
	v2 =	vld [tilespmem:s17+$0x20]  }
0x51: {  	v1 =	vld [tilespmem:s17+$0xFFFFFFC0];
	[tilespmem:s18+$0x1020 ss:$0x81] =	vst.msk $0xffff, v6;
	s17 =	sadd.s32 $0x80, s17  }
0x52: {  	s21 =	sadd.s32 $0x4, s21;
	v0 =	vld [tilespmem:s17+$0x30];
	[tilespmem:s18+$0x1830 ss:$0x81] =	vst.msk $0xffff, v7  }
.Ltmp4:
0x53: {  	_ = 	snop;
	(pc) =	sbr.rel .LBB1_4-.Ltmp4, $1  }
0x54: {  	_ =	sdelay $0x3  }
.LBB1_6:
0x55: {  	_ =	sfence.sel $0x180000  }
0x56: {  	s2 =	simm.s32 $0x1;
	[bflag:$0x0] =	sbarrier.arrive $0xFFFF  }
0x57: {  	s31 =	simm.s32 $0x2;
	[sflag:s2] =	ssyncpa.u1 $0x1  }
0x58: {  	[sflag:s31] =	ssyncpa.u1 $0x1  }
0x59: {  	p0 =	sne.s32 s0, $0x0;
	_ =	strace $0x9000004A  }
0x5a: {  	s0 =	sadd.s32 @!p0 $0x100000, s1;
	[bflag:$0x2] =	sbarrier.arrive $0xFFFF  }
0x5b: {  	[sflag:s0] =	ssyncadd.tile.s32 @!p0 $0x1;
	_ =	shalt  }
.Lfunc_end1:
_tile_overlayer_lowered:
.L_overlay_start_2:
0x5c: {  	(tag) =	ssettag $0x2  }
0x5d: {  	s0 =	rddreg [dreg:$0x0];
	s2 =	stileid.u32  }
0x5e: {  	s1 =	rddreg [dreg:$0x1];
	p0 =	sne.s32 s2, $0x0  }
0x5f: {  	s3 =	rddreg [dreg:$0x2];
	[bflag:$0x3] =	sbarrier.arrive $0xFFFF;
	s2 =	simm.s32 @!p0 $0x1C01  }
0x60: {  	[timem:s3], [sflag:s2] =	dma.local @!p0 [hbm:s0], s1  }
0x61: {  	s0 =	simm.s32 @!p0 $0x1  }
0x62: {  	_ =	swait.ge @!p0 [sflag:s0], s1  }
0x63: {  	s1 =	ssub.s32 @!p0 $0x0, s1;
	[sflag:s0] =	ssyncset.done @!p0 $0x0  }
0x64: {  	[sflag:s0] =	ssyncadd.s32 @!p0 s1  }
0x65: {  	[bflag:$0x3] =	sbarrier.arrive $0xFFFF  }
0x66: {  	_ =	shalt  }

</sc_bundles>
